<compile_context>
chip_gen: v7x
topology: tpu7x:2x2x1
jax: 0.10.2.dev20260603
libtpu: 0.0.44.dev20260713+nightly
codegen_flags: <defaults>
</compile_context>

<pallas_src>
import functools

import jax
import jax.numpy as jnp
from jax import lax
from jax.experimental import pallas as pl
from jax.experimental.pallas import tpu as pltpu
from jax.experimental.pallas import tpu_sc as plsc

LAMB_A = 0.7
LAMB_B = 1.0 - 0.7

N = 50000
D = 256
NW = 32
ROWS_W = 1584
C = 48
NCH = ROWS_W // C
NG = NCH // 3
PIECES = D // 16


@functools.partial(
    pl.kernel,
    out_type=(
        jax.ShapeDtypeStruct((N, D), jnp.float32),
        jax.ShapeDtypeStruct((N,), jnp.int32),
    ),
    mesh=plsc.VectorSubcoreMesh(core_axis_name="c", subcore_axis_name="s"),
    scratch_types=[
        pltpu.VMEM((ROWS_W,), jnp.int32),
        pltpu.VMEM((ROWS_W,), jnp.int32),
        pltpu.VMEM((C, D), jnp.float32),
        pltpu.VMEM((C, D), jnp.float32),
        pltpu.VMEM((C, D), jnp.float32),
        pltpu.VMEM((C, D), jnp.float32),
        pltpu.VMEM((C, D), jnp.float32),
        pltpu.VMEM((C, D), jnp.float32),
        pltpu.VMEM((C, D), jnp.float32),
        pltpu.VMEM((C, D), jnp.float32),
        pltpu.VMEM((C, D), jnp.float32),
        pltpu.SemaphoreType.DMA,
        pltpu.SemaphoreType.DMA,
        pltpu.SemaphoreType.DMA,
        pltpu.SemaphoreType.DMA,
        pltpu.SemaphoreType.DMA,
        pltpu.SemaphoreType.DMA,
        pltpu.SemaphoreType.DMA,
        pltpu.SemaphoreType.DMA,
        pltpu.SemaphoreType.DMA,
        pltpu.SemaphoreType.DMA,
    ],
)
def _mixup_kernel(x_hbm, y_hbm, pair_hbm, xmix_hbm, ynew_hbm,
                  idx_v, y_v, x0, x1, x2, xb0, xb1, xb2, o0, o1, o2,
                  sx0, sx1, sx2, sg0, sg1, sg2, ss0, ss1, ss2, sy):
    wid = lax.axis_index("s") * 2 + lax.axis_index("c")
    wbase = jnp.minimum(wid * ROWS_W, N - ROWS_W)

    x_v = (x0, x1, x2)
    xb_v = (xb0, xb1, xb2)
    o_v = (o0, o1, o2)
    sx = (sx0, sx1, sx2)
    sg = (sg0, sg1, sg2)
    ss = (ss0, ss1, ss2)

    pltpu.sync_copy(pair_hbm.at[pl.ds(wbase, ROWS_W)], idx_v)

    def fetch(c, b):
        base = wbase + c * C
        pltpu.async_copy(x_hbm.at[pl.ds(base, C)], x_v[b], sx[b])
        pltpu.async_copy(x_hbm.at[idx_v.at[pl.ds(c * C, C)]], xb_v[b], sg[b])

    fetch(0, 0)
    fetch(1, 1)

    pltpu.async_copy(y_hbm.at[pl.ds(wbase, ROWS_W)], y_v, sy).wait()
    dy_out = pltpu.async_copy(y_v, ynew_hbm.at[pl.ds(wbase, ROWS_W)], sy)

    def group_body(g, _):
        for b in range(3):
            c = 3 * g + b
            pltpu.make_async_copy(x_hbm.at[pl.ds(0, C)], x_v[b], sx[b]).wait()
            pltpu.make_async_copy(x_hbm.at[pl.ds(0, C)], xb_v[b], sg[b]).wait()

            @pl.when(c + 2 < NCH)
            def _(c=c, b=b):
                fetch(c + 2, (b + 2) % 3)

            @pl.when(c >= 3)
            def _(b=b):
                pltpu.make_async_copy(
                    o_v[b], xmix_hbm.at[pl.ds(wbase, C)], ss[b]).wait()

            def row_body(i, _, b=b):
                for j in range(PIECES):
                    sl = pl.ds(j * 16, 16)
                    o_v[b][i, sl] = (LAMB_A * x_v[b][i, sl]
                                     + LAMB_B * xb_v[b][i, sl])
                return 0

            lax.fori_loop(0, C, row_body, 0, unroll=False)

            pltpu.async_copy(o_v[b], xmix_hbm.at[pl.ds(wbase + c * C, C)],
                             ss[b])
        return 0

    lax.fori_loop(0, NG, group_body, 0, unroll=False)

    dy_out.wait()
    for b in range(3):
        pltpu.make_async_copy(
            o_v[b], xmix_hbm.at[pl.ds(wbase, C)], ss[b]).wait()


def kernel(x, y, pair_idx):
    x_mix, new_y = _mixup_kernel(x, y, pair_idx)
    return (x_mix, new_y)

# --- scband reference (transcript-rebuilt; emitter-appended) ---
"""Pipeline reference for scband-node-mix-up-14998025798432 (READ-ONLY COPY).

The authoritative reference and input builder live on the scoring server;
editing this copy changes nothing except your own understanding.
"""

import jax, jax.numpy as jnp
import numpy as np

LAMB = 0.7
CLASSES = 64
N = 50000
D = 256

def setup_inputs(seed: int = 0) -> dict:
    key = jax.random.key(seed)
    k1, k2, k3 = jax.random.split(key, 3)
    x = jax.random.normal(k1, (N, D), dtype=jnp.float32)
    y = jax.random.randint(k2, (N,), 0, CLASSES, dtype=jnp.int32)
    pair_idx = jax.random.randint(k3, (N,), 0, N, dtype=jnp.int32)
    return {"x": x, "y": y, "pair_idx": pair_idx}

def reference(x, y, pair_idx):
    # x_b = x[randperm]; here permutation is supplied as pair_idx for determinism
    x_b = jnp.take(x, pair_idx, axis=0)
    y_b = jnp.take(y, pair_idx, axis=0)
    y_a_oh = jax.nn.one_hot(y, CLASSES, dtype=jnp.float32)
    y_b_oh = jax.nn.one_hot(y_b, CLASSES, dtype=jnp.float32)
    x_mix = LAMB * x + (1.0 - LAMB) * x_b
    y_mix = LAMB * y_a_oh + (1.0 - LAMB) * y_b_oh
    new_y = jnp.argmax(y_mix, axis=1)
    return (x_mix, new_y)

if __name__ == "__main__":
    import jax
    _d = setup_inputs()
    print(jax.jit(kernel)(*tuple(_d.values())))

</pallas_src>

<mosaic_0001>
#map = affine_map<(d0, d1) -> (0, 0)>
#map1 = affine_map<(d0, d1) -> (0)>
module attributes {stable_mosaic.version = 14 : i64} {
  func.func @_mixup_kernel(%arg0: i32, %arg1: i32, %arg2: memref<50000x256xf32, #tpu.memory_space<hbm>>, %arg3: memref<50000xi32, #tpu.memory_space<hbm>>, %arg4: memref<50000xi32, #tpu.memory_space<hbm>>, %arg5: memref<50000x256xf32, #tpu.memory_space<hbm>>, %arg6: memref<50000xi32, #tpu.memory_space<hbm>>, %arg7: memref<1584xi32, #tpu.memory_space<vmem>>, %arg8: memref<1584xi32, #tpu.memory_space<vmem>>, %arg9: memref<48x256xf32, #tpu.memory_space<vmem>>, %arg10: memref<48x256xf32, #tpu.memory_space<vmem>>, %arg11: memref<48x256xf32, #tpu.memory_space<vmem>>, %arg12: memref<48x256xf32, #tpu.memory_space<vmem>>, %arg13: memref<48x256xf32, #tpu.memory_space<vmem>>, %arg14: memref<48x256xf32, #tpu.memory_space<vmem>>, %arg15: memref<48x256xf32, #tpu.memory_space<vmem>>, %arg16: memref<48x256xf32, #tpu.memory_space<vmem>>, %arg17: memref<48x256xf32, #tpu.memory_space<vmem>>, %arg18: memref<!tpu.dma_semaphore, #tpu.memory_space<semaphore_mem>>, %arg19: memref<!tpu.dma_semaphore, #tpu.memory_space<semaphore_mem>>, %arg20: memref<!tpu.dma_semaphore, #tpu.memory_space<semaphore_mem>>, %arg21: memref<!tpu.dma_semaphore, #tpu.memory_space<semaphore_mem>>, %arg22: memref<!tpu.dma_semaphore, #tpu.memory_space<semaphore_mem>>, %arg23: memref<!tpu.dma_semaphore, #tpu.memory_space<semaphore_mem>>, %arg24: memref<!tpu.dma_semaphore, #tpu.memory_space<semaphore_mem>>, %arg25: memref<!tpu.dma_semaphore, #tpu.memory_space<semaphore_mem>>, %arg26: memref<!tpu.dma_semaphore, #tpu.memory_space<semaphore_mem>>, %arg27: memref<!tpu.dma_semaphore, #tpu.memory_space<semaphore_mem>>) attributes {dimension_semantics = [#tpu.dimension_semantics<core_parallel>, #tpu.dimension_semantics<subcore_parallel>], iteration_bounds = array<i64: 2, 16>, scalar_prefetch = 0 : i64, scratch_operands = 21 : i64, tpu.core_type = #tpu.core_type<sc_vector_subcore>, window_params = [{transform_indices = #map}, {transform_indices = #map1}, {transform_indices = #map1}, {transform_indices = #map}, {transform_indices = #map1}]} {
    %mul3A = arith.constant 2 : i32
    %mul3A_0 = arith.muli %arg1, %mul3A : i32
    %add3A = arith.addi %mul3A_0, %arg0 : i32
    %mul3A_1 = arith.constant 1584 : i32
    %mul3A_2 = arith.muli %add3A, %mul3A_1 : i32
    %min3A = arith.constant 48416 : i32
    %min3A_3 = arith.minsi %mul3A_2, %min3A : i32
    "tpu.region"() ({
      %run_scoped3A = tpu.sem_alloc : memref<!tpu.dma_semaphore, #tpu.memory_space<semaphore_mem>>
      %dma_start3A_50 = tpu.memref_slice %arg4[%min3A_3] : memref<50000xi32, #tpu.memory_space<hbm>> -> memref<1584xi32, #tpu.memory_space<hbm>>
      %dma_start3A_51 = tpu.memref_slice %arg4[%min3A_3] : memref<50000xi32, #tpu.memory_space<hbm>> -> memref<1584xi32, #tpu.memory_space<hbm>>
      tpu.enqueue_dma source(%dma_start3A_51 : memref<1584xi32, #tpu.memory_space<hbm>>) target(%arg7 : memref<1584xi32, #tpu.memory_space<vmem>>) target_semaphore(%run_scoped3A : memref<!tpu.dma_semaphore, #tpu.memory_space<semaphore_mem>>)
      %dma_wait3A_52 = tpu.memref_slice %arg4[%min3A_3] : memref<50000xi32, #tpu.memory_space<hbm>> -> memref<1584xi32, #tpu.memory_space<hbm>>
      %dma_wait3A_53 = tpu.memref_slice %arg4[%min3A_3] : memref<50000xi32, #tpu.memory_space<hbm>> -> memref<1584xi32, #tpu.memory_space<hbm>>
      tpu.wait_dma2 semaphore(%run_scoped3A : memref<!tpu.dma_semaphore, #tpu.memory_space<semaphore_mem>>) src(%dma_wait3A_53 : memref<1584xi32, #tpu.memory_space<hbm>>) dst(%arg7 : memref<1584xi32, #tpu.memory_space<vmem>>)
      tpu.yield
    }) : () -> ()
    %add3A_4 = arith.constant 0 : i32
    %add3A_5 = arith.addi %min3A_3, %add3A_4 : i32
    %dma_start3A = arith.constant 0 : i32
    %dma_start3A_6 = tpu.memref_slice %arg2[%add3A_5, %dma_start3A] : memref<50000x256xf32, #tpu.memory_space<hbm>> -> memref<48x256xf32, #tpu.memory_space<hbm>>
    %dma_start3A_7 = arith.constant 0 : i32
    %dma_start3A_8 = tpu.memref_slice %arg2[%add3A_5, %dma_start3A_7] : memref<50000x256xf32, #tpu.memory_space<hbm>> -> memref<48x256xf32, #tpu.memory_space<hbm>>
    tpu.enqueue_dma source(%dma_start3A_8 : memref<48x256xf32, #tpu.memory_space<hbm>>) target(%arg9 : memref<48x256xf32, #tpu.memory_space<vmem>>) target_semaphore(%arg18 : memref<!tpu.dma_semaphore, #tpu.memory_space<semaphore_mem>>)
    %dma_start3A_9 = arith.constant 0 : i32
    %dma_start3A_10 = tpu.memref_slice %arg7[%dma_start3A_9] : memref<1584xi32, #tpu.memory_space<vmem>> -> memref<48xi32, #tpu.memory_space<vmem>>
    %dma_start3A_11 = arith.constant 0 : i32
    %dma_start3A_12 = arith.constant 0 : i32
    %dma_start3A_13 = tpu.memref_slice %arg2[%dma_start3A_11, %dma_start3A_12] : memref<50000x256xf32, #tpu.memory_space<hbm>> -> memref<50000x256xf32, #tpu.memory_space<hbm>>
    tpu.enqueue_indirect_dma source(%dma_start3A_13 : memref<50000x256xf32, #tpu.memory_space<hbm>>) target(%arg12 : memref<48x256xf32, #tpu.memory_space<vmem>>) offsets(%dma_start3A_10 : memref<48xi32, #tpu.memory_space<vmem>>) semaphore(%arg21 : memref<!tpu.dma_semaphore, #tpu.memory_space<semaphore_mem>>)
    %add3A_14 = arith.constant 48 : i32
    %add3A_15 = arith.addi %min3A_3, %add3A_14 : i32
    %dma_start3A_16 = arith.constant 0 : i32
    %dma_start3A_17 = tpu.memref_slice %arg2[%add3A_15, %dma_start3A_16] : memref<50000x256xf32, #tpu.memory_space<hbm>> -> memref<48x256xf32, #tpu.memory_space<hbm>>
    %dma_start3A_18 = arith.constant 0 : i32
    %dma_start3A_19 = tpu.memref_slice %arg2[%add3A_15, %dma_start3A_18] : memref<50000x256xf32, #tpu.memory_space<hbm>> -> memref<48x256xf32, #tpu.memory_space<hbm>>
    tpu.enqueue_dma source(%dma_start3A_19 : memref<48x256xf32, #tpu.memory_space<hbm>>) target(%arg10 : memref<48x256xf32, #tpu.memory_space<vmem>>) target_semaphore(%arg19 : memref<!tpu.dma_semaphore, #tpu.memory_space<semaphore_mem>>)
    %dma_start3A_20 = arith.constant 48 : i32
    %dma_start3A_21 = tpu.memref_slice %arg7[%dma_start3A_20] : memref<1584xi32, #tpu.memory_space<vmem>> -> memref<48xi32, #tpu.memory_space<vmem>>
    %dma_start3A_22 = arith.constant 0 : i32
    %dma_start3A_23 = arith.constant 0 : i32
    %dma_start3A_24 = tpu.memref_slice %arg2[%dma_start3A_22, %dma_start3A_23] : memref<50000x256xf32, #tpu.memory_space<hbm>> -> memref<50000x256xf32, #tpu.memory_space<hbm>>
    tpu.enqueue_indirect_dma source(%dma_start3A_24 : memref<50000x256xf32, #tpu.memory_space<hbm>>) target(%arg13 : memref<48x256xf32, #tpu.memory_space<vmem>>) offsets(%dma_start3A_21 : memref<48xi32, #tpu.memory_space<vmem>>) semaphore(%arg22 : memref<!tpu.dma_semaphore, #tpu.memory_space<semaphore_mem>>)
    %dma_start3A_25 = tpu.memref_slice %arg3[%min3A_3] : memref<50000xi32, #tpu.memory_space<hbm>> -> memref<1584xi32, #tpu.memory_space<hbm>>
    %dma_start3A_26 = tpu.memref_slice %arg3[%min3A_3] : memref<50000xi32, #tpu.memory_space<hbm>> -> memref<1584xi32, #tpu.memory_space<hbm>>
    tpu.enqueue_dma source(%dma_start3A_26 : memref<1584xi32, #tpu.memory_space<hbm>>) target(%arg8 : memref<1584xi32, #tpu.memory_space<vmem>>) target_semaphore(%arg27 : memref<!tpu.dma_semaphore, #tpu.memory_space<semaphore_mem>>)
    %dma_wait3A = tpu.memref_slice %arg3[%min3A_3] : memref<50000xi32, #tpu.memory_space<hbm>> -> memref<1584xi32, #tpu.memory_space<hbm>>
    %dma_wait3A_27 = tpu.memref_slice %arg3[%min3A_3] : memref<50000xi32, #tpu.memory_space<hbm>> -> memref<1584xi32, #tpu.memory_space<hbm>>
    tpu.wait_dma2 semaphore(%arg27 : memref<!tpu.dma_semaphore, #tpu.memory_space<semaphore_mem>>) src(%dma_wait3A_27 : memref<1584xi32, #tpu.memory_space<hbm>>) dst(%arg8 : memref<1584xi32, #tpu.memory_space<vmem>>)
    %dma_start3A_28 = tpu.memref_slice %arg6[%min3A_3] : memref<50000xi32, #tpu.memory_space<hbm>> -> memref<1584xi32, #tpu.memory_space<hbm>>
    %dma_start3A_29 = tpu.memref_slice %arg6[%min3A_3] : memref<50000xi32, #tpu.memory_space<hbm>> -> memref<1584xi32, #tpu.memory_space<hbm>>
    tpu.enqueue_dma source(%arg8 : memref<1584xi32, #tpu.memory_space<vmem>>) target(%dma_start3A_29 : memref<1584xi32, #tpu.memory_space<hbm>>) target_semaphore(%arg27 : memref<!tpu.dma_semaphore, #tpu.memory_space<semaphore_mem>>)
    %scan3A = arith.constant 0 : i32
    %scan3A_30 = arith.constant 0 : i32
    %scan3A_31 = arith.constant 11 : i32
    %scan3A_32 = arith.addi %scan3A_30, %scan3A_31 : i32
    %scan3A_33 = arith.constant 1 : i32
    %scan3A_34 = scf.for %scan3A_50 = %scan3A_30 to %scan3A_32 step %scan3A_33 iter_args(%scan3A_51 = %scan3A) -> (i32)  : i32 {
      %mul3A_52 = arith.constant 3 : i32
      %mul3A_53 = arith.muli %mul3A_52, %scan3A_50 : i32
      %add3A_54 = arith.constant 0 : i32
      %add3A_55 = arith.addi %mul3A_53, %add3A_54 : i32
      %dma_wait3A_56 = arith.constant 0 : i32
      %dma_wait3A_57 = arith.constant 0 : i32
      %dma_wait3A_58 = tpu.memref_slice %arg2[%dma_wait3A_56, %dma_wait3A_57] : memref<50000x256xf32, #tpu.memory_space<hbm>> -> memref<48x256xf32, #tpu.memory_space<hbm>>
      %dma_wait3A_59 = arith.constant 0 : i32
      %dma_wait3A_60 = arith.constant 0 : i32
      %dma_wait3A_61 = tpu.memref_slice %arg2[%dma_wait3A_59, %dma_wait3A_60] : memref<50000x256xf32, #tpu.memory_space<hbm>> -> memref<48x256xf32, #tpu.memory_space<hbm>>
      tpu.wait_dma2 semaphore(%arg18 : memref<!tpu.dma_semaphore, #tpu.memory_space<semaphore_mem>>) src(%dma_wait3A_61 : memref<48x256xf32, #tpu.memory_space<hbm>>) dst(%arg9 : memref<48x256xf32, #tpu.memory_space<vmem>>)
      %dma_wait3A_62 = arith.constant 0 : i32
      %dma_wait3A_63 = arith.constant 0 : i32
      %dma_wait3A_64 = tpu.memref_slice %arg2[%dma_wait3A_62, %dma_wait3A_63] : memref<50000x256xf32, #tpu.memory_space<hbm>> -> memref<48x256xf32, #tpu.memory_space<hbm>>
      %dma_wait3A_65 = arith.constant 0 : i32
      %dma_wait3A_66 = arith.constant 0 : i32
      %dma_wait3A_67 = tpu.memref_slice %arg2[%dma_wait3A_65, %dma_wait3A_66] : memref<50000x256xf32, #tpu.memory_space<hbm>> -> memref<48x256xf32, #tpu.memory_space<hbm>>
      tpu.wait_dma2 semaphore(%arg21 : memref<!tpu.dma_semaphore, #tpu.memory_space<semaphore_mem>>) src(%dma_wait3A_67 : memref<48x256xf32, #tpu.memory_space<hbm>>) dst(%arg12 : memref<48x256xf32, #tpu.memory_space<vmem>>)
      %add3A_68 = arith.constant 2 : i32
      %add3A_69 = arith.addi %add3A_55, %add3A_68 : i32
      %lt3A = arith.constant 33 : i32
      %lt3A_70 = arith.cmpi slt, %add3A_69, %lt3A : i32
      %convert_element_type3A = arith.extui %lt3A_70 : i1 to i32
      %cond3A = arith.constant 0 : i32
      %cond3A_71 = arith.cmpi ne, %convert_element_type3A, %cond3A : i32
      scf.if %cond3A_71 {
        %add3A_175 = arith.constant 2 : i32
        %add3A_176 = arith.addi %add3A_55, %add3A_175 : i32
        %mul3A_177 = arith.constant 48 : i32
        %mul3A_178 = arith.muli %add3A_176, %mul3A_177 : i32
        %add3A_179 = arith.addi %min3A_3, %mul3A_178 : i32
        %dma_start3A_180 = arith.constant 0 : i32
        %dma_start3A_181 = tpu.memref_slice %arg2[%add3A_179, %dma_start3A_180] : memref<50000x256xf32, #tpu.memory_space<hbm>> -> memref<48x256xf32, #tpu.memory_space<hbm>>
        %dma_start3A_182 = arith.constant 0 : i32
        %dma_start3A_183 = tpu.memref_slice %arg2[%add3A_179, %dma_start3A_182] : memref<50000x256xf32, #tpu.memory_space<hbm>> -> memref<48x256xf32, #tpu.memory_space<hbm>>
        tpu.enqueue_dma source(%dma_start3A_183 : memref<48x256xf32, #tpu.memory_space<hbm>>) target(%arg11 : memref<48x256xf32, #tpu.memory_space<vmem>>) target_semaphore(%arg20 : memref<!tpu.dma_semaphore, #tpu.memory_space<semaphore_mem>>)
        %mul3A_184 = arith.constant 48 : i32
        %mul3A_185 = arith.muli %add3A_176, %mul3A_184 : i32
        %dma_start3A_186 = tpu.memref_slice %arg7[%mul3A_185] : memref<1584xi32, #tpu.memory_space<vmem>> -> memref<48xi32, #tpu.memory_space<vmem>>
        %dma_start3A_187 = arith.constant 0 : i32
        %dma_start3A_188 = arith.constant 0 : i32
        %dma_start3A_189 = tpu.memref_slice %arg2[%dma_start3A_187, %dma_start3A_188] : memref<50000x256xf32, #tpu.memory_space<hbm>> -> memref<50000x256xf32, #tpu.memory_space<hbm>>
        tpu.enqueue_indirect_dma source(%dma_start3A_189 : memref<50000x256xf32, #tpu.memory_space<hbm>>) target(%arg14 : memref<48x256xf32, #tpu.memory_space<vmem>>) offsets(%dma_start3A_186 : memref<48xi32, #tpu.memory_space<vmem>>) semaphore(%arg23 : memref<!tpu.dma_semaphore, #tpu.memory_space<semaphore_mem>>)
      } else {
      }
      %ge3A = arith.constant 3 : i32
      %ge3A_72 = arith.cmpi sge, %add3A_55, %ge3A : i32
      %convert_element_type3A_73 = arith.extui %ge3A_72 : i1 to i32
      %cond3A_74 = arith.constant 0 : i32
      %cond3A_75 = arith.cmpi ne, %convert_element_type3A_73, %cond3A_74 : i32
      scf.if %cond3A_75 {
        %dma_wait3A_175 = arith.constant 0 : i32
        %dma_wait3A_176 = tpu.memref_slice %arg5[%min3A_3, %dma_wait3A_175] : memref<50000x256xf32, #tpu.memory_space<hbm>> -> memref<48x256xf32, #tpu.memory_space<hbm>>
        %dma_wait3A_177 = arith.constant 0 : i32
        %dma_wait3A_178 = tpu.memref_slice %arg5[%min3A_3, %dma_wait3A_177] : memref<50000x256xf32, #tpu.memory_space<hbm>> -> memref<48x256xf32, #tpu.memory_space<hbm>>
        tpu.wait_dma2 semaphore(%arg24 : memref<!tpu.dma_semaphore, #tpu.memory_space<semaphore_mem>>) src(%arg15 : memref<48x256xf32, #tpu.memory_space<vmem>>) dst(%dma_wait3A_178 : memref<48x256xf32, #tpu.memory_space<hbm>>)
      } else {
      }
      %scan3A_76 = arith.constant 0 : i32
      %scan3A_77 = arith.constant 0 : i32
      %scan3A_78 = arith.constant 48 : i32
      %scan3A_79 = arith.addi %scan3A_77, %scan3A_78 : i32
      %scan3A_80 = arith.constant 1 : i32
      %scan3A_81 = scf.for %scan3A_175 = %scan3A_77 to %scan3A_79 step %scan3A_80 iter_args(%scan3A_176 = %scan3A_76) -> (i32)  : i32 {
        %get3A = arith.index_cast %scan3A_175 : i32 to index
        %get3A_177 = arith.constant 0 : index
        %get3A_178 = tpu.vector_load %arg9[%get3A, %get3A_177] {strides = array<i32>} : memref<48x256xf32, #tpu.memory_space<vmem>>, vector<1x16xf32>,
        %get3A_179 = vector.shape_cast %get3A_178 : vector<1x16xf32> to vector<16xf32>
        %mul3A_180 = arith.constant 0.699999988 : f32
        %mul3A_181 = vector.broadcast %mul3A_180 : f32 to vector<16xf32>
        %mul3A_182 = arith.mulf %mul3A_181, %get3A_179 : vector<16xf32>
        %get3A_183 = arith.index_cast %scan3A_175 : i32 to index
        %get3A_184 = arith.constant 0 : index
        %get3A_185 = tpu.vector_load %arg12[%get3A_183, %get3A_184] {strides = array<i32>} : memref<48x256xf32, #tpu.memory_space<vmem>>, vector<1x16xf32>,
        %get3A_186 = vector.shape_cast %get3A_185 : vector<1x16xf32> to vector<16xf32>
        %mul3A_187 = arith.constant 3.000000e-01 : f32
        %mul3A_188 = vector.broadcast %mul3A_187 : f32 to vector<16xf32>
        %mul3A_189 = arith.mulf %mul3A_188, %get3A_186 : vector<16xf32>
        %add3A_190 = arith.addf %mul3A_182, %mul3A_189 : vector<16xf32>
        %swap3A = arith.index_cast %scan3A_175 : i32 to index
        %swap3A_191 = arith.constant 0 : index
        %swap3A_192 = tpu.vector_load %arg15[%swap3A, %swap3A_191] {strides = array<i32>} : memref<48x256xf32, #tpu.memory_space<vmem>>, vector<1x16xf32>,
        %swap3A_193 = vector.shape_cast %swap3A_192 : vector<1x16xf32> to vector<16xf32>
        %swap3A_194 = vector.shape_cast %add3A_190 : vector<16xf32> to vector<1x16xf32>
        tpu.vector_store %arg15[%swap3A, %swap3A_191], %swap3A_194 {strides = array<i32>} : memref<48x256xf32, #tpu.memory_space<vmem>>, vector<1x16xf32>,
        %get3A_195 = arith.index_cast %scan3A_175 : i32 to index
        %get3A_196 = arith.constant 16 : index
        %get3A_197 = tpu.vector_load %arg9[%get3A_195, %get3A_196] {strides = array<i32>} : memref<48x256xf32, #tpu.memory_space<vmem>>, vector<1x16xf32>,
        %get3A_198 = vector.shape_cast %get3A_197 : vector<1x16xf32> to vector<16xf32>
        %mul3A_199 = arith.constant 0.699999988 : f32
        %mul3A_200 = vector.broadcast %mul3A_199 : f32 to vector<16xf32>
        %mul3A_201 = arith.mulf %mul3A_200, %get3A_198 : vector<16xf32>
        %get3A_202 = arith.index_cast %scan3A_175 : i32 to index
        %get3A_203 = arith.constant 16 : index
        %get3A_204 = tpu.vector_load %arg12[%get3A_202, %get3A_203] {strides = array<i32>} : memref<48x256xf32, #tpu.memory_space<vmem>>, vector<1x16xf32>,
        %get3A_205 = vector.shape_cast %get3A_204 : vector<1x16xf32> to vector<16xf32>
        %mul3A_206 = arith.constant 3.000000e-01 : f32
        %mul3A_207 = vector.broadcast %mul3A_206 : f32 to vector<16xf32>
        %mul3A_208 = arith.mulf %mul3A_207, %get3A_205 : vector<16xf32>
        %add3A_209 = arith.addf %mul3A_201, %mul3A_208 : vector<16xf32>
        %swap3A_210 = arith.index_cast %scan3A_175 : i32 to index
        %swap3A_211 = arith.constant 16 : index
        %swap3A_212 = tpu.vector_load %arg15[%swap3A_210, %swap3A_211] {strides = array<i32>} : memref<48x256xf32, #tpu.memory_space<vmem>>, vector<1x16xf32>,
        %swap3A_213 = vector.shape_cast %swap3A_212 : vector<1x16xf32> to vector<16xf32>
        %swap3A_214 = vector.shape_cast %add3A_209 : vector<16xf32> to vector<1x16xf32>
        tpu.vector_store %arg15[%swap3A_210, %swap3A_211], %swap3A_214 {strides = array<i32>} : memref<48x256xf32, #tpu.memory_space<vmem>>, vector<1x16xf32>,
        %get3A_215 = arith.index_cast %scan3A_175 : i32 to index
        %get3A_216 = arith.constant 32 : index
        %get3A_217 = tpu.vector_load %arg9[%get3A_215, %get3A_216] {strides = array<i32>} : memref<48x256xf32, #tpu.memory_space<vmem>>, vector<1x16xf32>,
        %get3A_218 = vector.shape_cast %get3A_217 : vector<1x16xf32> to vector<16xf32>
        %mul3A_219 = arith.constant 0.699999988 : f32
        %mul3A_220 = vector.broadcast %mul3A_219 : f32 to vector<16xf32>
        %mul3A_221 = arith.mulf %mul3A_220, %get3A_218 : vector<16xf32>
        %get3A_222 = arith.index_cast %scan3A_175 : i32 to index
        %get3A_223 = arith.constant 32 : index
        %get3A_224 = tpu.vector_load %arg12[%get3A_222, %get3A_223] {strides = array<i32>} : memref<48x256xf32, #tpu.memory_space<vmem>>, vector<1x16xf32>,
        %get3A_225 = vector.shape_cast %get3A_224 : vector<1x16xf32> to vector<16xf32>
        %mul3A_226 = arith.constant 3.000000e-01 : f32
        %mul3A_227 = vector.broadcast %mul3A_226 : f32 to vector<16xf32>
        %mul3A_228 = arith.mulf %mul3A_227, %get3A_225 : vector<16xf32>
        %add3A_229 = arith.addf %mul3A_221, %mul3A_228 : vector<16xf32>
        %swap3A_230 = arith.index_cast %scan3A_175 : i32 to index
        %swap3A_231 = arith.constant 32 : index
        %swap3A_232 = tpu.vector_load %arg15[%swap3A_230, %swap3A_231] {strides = array<i32>} : memref<48x256xf32, #tpu.memory_space<vmem>>, vector<1x16xf32>,
        %swap3A_233 = vector.shape_cast %swap3A_232 : vector<1x16xf32> to vector<16xf32>
        %swap3A_234 = vector.shape_cast %add3A_229 : vector<16xf32> to vector<1x16xf32>
        tpu.vector_store %arg15[%swap3A_230, %swap3A_231], %swap3A_234 {strides = array<i32>} : memref<48x256xf32, #tpu.memory_space<vmem>>, vector<1x16xf32>,
        %get3A_235 = arith.index_cast %scan3A_175 : i32 to index
        %get3A_236 = arith.constant 48 : index
        %get3A_237 = tpu.vector_load %arg9[%get3A_235, %get3A_236] {strides = array<i32>} : memref<48x256xf32, #tpu.memory_space<vmem>>, vector<1x16xf32>,
        %get3A_238 = vector.shape_cast %get3A_237 : vector<1x16xf32> to vector<16xf32>
        %mul3A_239 = arith.constant 0.699999988 : f32
        %mul3A_240 = vector.broadcast %mul3A_239 : f32 to vector<16xf32>
        %mul3A_241 = arith.mulf %mul3A_240, %get3A_238 : vector<16xf32>
        %get3A_242 = arith.index_cast %scan3A_175 : i32 to index
        %get3A_243 = arith.constant 48 : index
        %get3A_244 = tpu.vector_load %arg12[%get3A_242, %get3A_243] {strides = array<i32>} : memref<48x256xf32, #tpu.memory_space<vmem>>, vector<1x16xf32>,
        %get3A_245 = vector.shape_cast %get3A_244 : vector<1x16xf32> to vector<16xf32>
        %mul3A_246 = arith.constant 3.000000e-01 : f32
        %mul3A_247 = vector.broadcast %mul3A_246 : f32 to vector<16xf32>
        %mul3A_248 = arith.mulf %mul3A_247, %get3A_245 : vector<16xf32>
        %add3A_249 = arith.addf %mul3A_241, %mul3A_248 : vector<16xf32>
        %swap3A_250 = arith.index_cast %scan3A_175 : i32 to index
        %swap3A_251 = arith.constant 48 : index
        %swap3A_252 = tpu.vector_load %arg15[%swap3A_250, %swap3A_251] {strides = array<i32>} : memref<48x256xf32, #tpu.memory_space<vmem>>, vector<1x16xf32>,
        %swap3A_253 = vector.shape_cast %swap3A_252 : vector<1x16xf32> to vector<16xf32>
        %swap3A_254 = vector.shape_cast %add3A_249 : vector<16xf32> to vector<1x16xf32>
        tpu.vector_store %arg15[%swap3A_250, %swap3A_251], %swap3A_254 {strides = array<i32>} : memref<48x256xf32, #tpu.memory_space<vmem>>, vector<1x16xf32>,
        %get3A_255 = arith.index_cast %scan3A_175 : i32 to index
        %get3A_256 = arith.constant 64 : index
        %get3A_257 = tpu.vector_load %arg9[%get3A_255, %get3A_256] {strides = array<i32>} : memref<48x256xf32, #tpu.memory_space<vmem>>, vector<1x16xf32>,
        %get3A_258 = vector.shape_cast %get3A_257 : vector<1x16xf32> to vector<16xf32>
        %mul3A_259 = arith.constant 0.699999988 : f32
        %mul3A_260 = vector.broadcast %mul3A_259 : f32 to vector<16xf32>
        %mul3A_261 = arith.mulf %mul3A_260, %get3A_258 : vector<16xf32>
        %get3A_262 = arith.index_cast %scan3A_175 : i32 to index
        %get3A_263 = arith.constant 64 : index
        %get3A_264 = tpu.vector_load %arg12[%get3A_262, %get3A_263] {strides = array<i32>} : memref<48x256xf32, #tpu.memory_space<vmem>>, vector<1x16xf32>,
        %get3A_265 = vector.shape_cast %get3A_264 : vector<1x16xf32> to vector<16xf32>
        %mul3A_266 = arith.constant 3.000000e-01 : f32
        %mul3A_267 = vector.broadcast %mul3A_266 : f32 to vector<16xf32>
        %mul3A_268 = arith.mulf %mul3A_267, %get3A_265 : vector<16xf32>
        %add3A_269 = arith.addf %mul3A_261, %mul3A_268 : vector<16xf32>
        %swap3A_270 = arith.index_cast %scan3A_175 : i32 to index
        %swap3A_271 = arith.constant 64 : index
        %swap3A_272 = tpu.vector_load %arg15[%swap3A_270, %swap3A_271] {strides = array<i32>} : memref<48x256xf32, #tpu.memory_space<vmem>>, vector<1x16xf32>,
        %swap3A_273 = vector.shape_cast %swap3A_272 : vector<1x16xf32> to vector<16xf32>
        %swap3A_274 = vector.shape_cast %add3A_269 : vector<16xf32> to vector<1x16xf32>
        tpu.vector_store %arg15[%swap3A_270, %swap3A_271], %swap3A_274 {strides = array<i32>} : memref<48x256xf32, #tpu.memory_space<vmem>>, vector<1x16xf32>,
        %get3A_275 = arith.index_cast %scan3A_175 : i32 to index
        %get3A_276 = arith.constant 80 : index
        %get3A_277 = tpu.vector_load %arg9[%get3A_275, %get3A_276] {strides = array<i32>} : memref<48x256xf32, #tpu.memory_space<vmem>>, vector<1x16xf32>,
        %get3A_278 = vector.shape_cast %get3A_277 : vector<1x16xf32> to vector<16xf32>
        %mul3A_279 = arith.constant 0.699999988 : f32
        %mul3A_280 = vector.broadcast %mul3A_279 : f32 to vector<16xf32>
        %mul3A_281 = arith.mulf %mul3A_280, %get3A_278 : vector<16xf32>
        %get3A_282 = arith.index_cast %scan3A_175 : i32 to index
        %get3A_283 = arith.constant 80 : index
        %get3A_284 = tpu.vector_load %arg12[%get3A_282, %get3A_283] {strides = array<i32>} : memref<48x256xf32, #tpu.memory_space<vmem>>, vector<1x16xf32>,
        %get3A_285 = vector.shape_cast %get3A_284 : vector<1x16xf32> to vector<16xf32>
        %mul3A_286 = arith.constant 3.000000e-01 : f32
        %mul3A_287 = vector.broadcast %mul3A_286 : f32 to vector<16xf32>
        %mul3A_288 = arith.mulf %mul3A_287, %get3A_285 : vector<16xf32>
        %add3A_289 = arith.addf %mul3A_281, %mul3A_288 : vector<16xf32>
        %swap3A_290 = arith.index_cast %scan3A_175 : i32 to index
        %swap3A_291 = arith.constant 80 : index
        %swap3A_292 = tpu.vector_load %arg15[%swap3A_290, %swap3A_291] {strides = array<i32>} : memref<48x256xf32, #tpu.memory_space<vmem>>, vector<1x16xf32>,
        %swap3A_293 = vector.shape_cast %swap3A_292 : vector<1x16xf32> to vector<16xf32>
        %swap3A_294 = vector.shape_cast %add3A_289 : vector<16xf32> to vector<1x16xf32>
        tpu.vector_store %arg15[%swap3A_290, %swap3A_291], %swap3A_294 {strides = array<i32>} : memref<48x256xf32, #tpu.memory_space<vmem>>, vector<1x16xf32>,
        %get3A_295 = arith.index_cast %scan3A_175 : i32 to index
        %get3A_296 = arith.constant 96 : index
        %get3A_297 = tpu.vector_load %arg9[%get3A_295, %get3A_296] {strides = array<i32>} : memref<48x256xf32, #tpu.memory_space<vmem>>, vector<1x16xf32>,
        %get3A_298 = vector.shape_cast %get3A_297 : vector<1x16xf32> to vector<16xf32>
        %mul3A_299 = arith.constant 0.699999988 : f32
        %mul3A_300 = vector.broadcast %mul3A_299 : f32 to vector<16xf32>
        %mul3A_301 = arith.mulf %mul3A_300, %get3A_298 : vector<16xf32>
        %get3A_302 = arith.index_cast %scan3A_175 : i32 to index
        %get3A_303 = arith.constant 96 : index
        %get3A_304 = tpu.vector_load %arg12[%get3A_302, %get3A_303] {strides = array<i32>} : memref<48x256xf32, #tpu.memory_space<vmem>>, vector<1x16xf32>,
        %get3A_305 = vector.shape_cast %get3A_304 : vector<1x16xf32> to vector<16xf32>
        %mul3A_306 = arith.constant 3.000000e-01 : f32
        %mul3A_307 = vector.broadcast %mul3A_306 : f32 to vector<16xf32>
        %mul3A_308 = arith.mulf %mul3A_307, %get3A_305 : vector<16xf32>
        %add3A_309 = arith.addf %mul3A_301, %mul3A_308 : vector<16xf32>
        %swap3A_310 = arith.index_cast %scan3A_175 : i32 to index
        %swap3A_311 = arith.constant 96 : index
        %swap3A_312 = tpu.vector_load %arg15[%swap3A_310, %swap3A_311] {strides = array<i32>} : memref<48x256xf32, #tpu.memory_space<vmem>>, vector<1x16xf32>,
        %swap3A_313 = vector.shape_cast %swap3A_312 : vector<1x16xf32> to vector<16xf32>
        %swap3A_314 = vector.shape_cast %add3A_309 : vector<16xf32> to vector<1x16xf32>
        tpu.vector_store %arg15[%swap3A_310, %swap3A_311], %swap3A_314 {strides = array<i32>} : memref<48x256xf32, #tpu.memory_space<vmem>>, vector<1x16xf32>,
        %get3A_315 = arith.index_cast %scan3A_175 : i32 to index
        %get3A_316 = arith.constant 112 : index
        %get3A_317 = tpu.vector_load %arg9[%get3A_315, %get3A_316] {strides = array<i32>} : memref<48x256xf32, #tpu.memory_space<vmem>>, vector<1x16xf32>,
        %get3A_318 = vector.shape_cast %get3A_317 : vector<1x16xf32> to vector<16xf32>
        %mul3A_319 = arith.constant 0.699999988 : f32
        %mul3A_320 = vector.broadcast %mul3A_319 : f32 to vector<16xf32>
        %mul3A_321 = arith.mulf %mul3A_320, %get3A_318 : vector<16xf32>
        %get3A_322 = arith.index_cast %scan3A_175 : i32 to index
        %get3A_323 = arith.constant 112 : index
        %get3A_324 = tpu.vector_load %arg12[%get3A_322, %get3A_323] {strides = array<i32>} : memref<48x256xf32, #tpu.memory_space<vmem>>, vector<1x16xf32>,
        %get3A_325 = vector.shape_cast %get3A_324 : vector<1x16xf32> to vector<16xf32>
        %mul3A_326 = arith.constant 3.000000e-01 : f32
        %mul3A_327 = vector.broadcast %mul3A_326 : f32 to vector<16xf32>
        %mul3A_328 = arith.mulf %mul3A_327, %get3A_325 : vector<16xf32>
        %add3A_329 = arith.addf %mul3A_321, %mul3A_328 : vector<16xf32>
        %swap3A_330 = arith.index_cast %scan3A_175 : i32 to index
        %swap3A_331 = arith.constant 112 : index
        %swap3A_332 = tpu.vector_load %arg15[%swap3A_330, %swap3A_331] {strides = array<i32>} : memref<48x256xf32, #tpu.memory_space<vmem>>, vector<1x16xf32>,
        %swap3A_333 = vector.shape_cast %swap3A_332 : vector<1x16xf32> to vector<16xf32>
        %swap3A_334 = vector.shape_cast %add3A_329 : vector<16xf32> to vector<1x16xf32>
        tpu.vector_store %arg15[%swap3A_330, %swap3A_331], %swap3A_334 {strides = array<i32>} : memref<48x256xf32, #tpu.memory_space<vmem>>, vector<1x16xf32>,
        %get3A_335 = arith.index_cast %scan3A_175 : i32 to index
        %get3A_336 = arith.constant 128 : index
        %get3A_337 = tpu.vector_load %arg9[%get3A_335, %get3A_336] {strides = array<i32>} : memref<48x256xf32, #tpu.memory_space<vmem>>, vector<1x16xf32>,
        %get3A_338 = vector.shape_cast %get3A_337 : vector<1x16xf32> to vector<16xf32>
        %mul3A_339 = arith.constant 0.699999988 : f32
        %mul3A_340 = vector.broadcast %mul3A_339 : f32 to vector<16xf32>
        %mul3A_341 = arith.mulf %mul3A_340, %get3A_338 : vector<16xf32>
        %get3A_342 = arith.index_cast %scan3A_175 : i32 to index
        %get3A_343 = arith.constant 128 : index
        %get3A_344 = tpu.vector_load %arg12[%get3A_342, %get3A_343] {strides = array<i32>} : memref<48x256xf32, #tpu.memory_space<vmem>>, vector<1x16xf32>,
        %get3A_345 = vector.shape_cast %get3A_344 : vector<1x16xf32> to vector<16xf32>
        %mul3A_346 = arith.constant 3.000000e-01 : f32
        %mul3A_347 = vector.broadcast %mul3A_346 : f32 to vector<16xf32>
        %mul3A_348 = arith.mulf %mul3A_347, %get3A_345 : vector<16xf32>
        %add3A_349 = arith.addf %mul3A_341, %mul3A_348 : vector<16xf32>
        %swap3A_350 = arith.index_cast %scan3A_175 : i32 to index
        %swap3A_351 = arith.constant 128 : index
        %swap3A_352 = tpu.vector_load %arg15[%swap3A_350, %swap3A_351] {strides = array<i32>} : memref<48x256xf32, #tpu.memory_space<vmem>>, vector<1x16xf32>,
        %swap3A_353 = vector.shape_cast %swap3A_352 : vector<1x16xf32> to vector<16xf32>
        %swap3A_354 = vector.shape_cast %add3A_349 : vector<16xf32> to vector<1x16xf32>
        tpu.vector_store %arg15[%swap3A_350, %swap3A_351], %swap3A_354 {strides = array<i32>} : memref<48x256xf32, #tpu.memory_space<vmem>>, vector<1x16xf32>,
        %get3A_355 = arith.index_cast %scan3A_175 : i32 to index
        %get3A_356 = arith.constant 144 : index
        %get3A_357 = tpu.vector_load %arg9[%get3A_355, %get3A_356] {strides = array<i32>} : memref<48x256xf32, #tpu.memory_space<vmem>>, vector<1x16xf32>,
        %get3A_358 = vector.shape_cast %get3A_357 : vector<1x16xf32> to vector<16xf32>
        %mul3A_359 = arith.constant 0.699999988 : f32
        %mul3A_360 = vector.broadcast %mul3A_359 : f32 to vector<16xf32>
        %mul3A_361 = arith.mulf %mul3A_360, %get3A_358 : vector<16xf32>
        %get3A_362 = arith.index_cast %scan3A_175 : i32 to index
        %get3A_363 = arith.constant 144 : index
        %get3A_364 = tpu.vector_load %arg12[%get3A_362, %get3A_363] {strides = array<i32>} : memref<48x256xf32, #tpu.memory_space<vmem>>, vector<1x16xf32>,
        %get3A_365 = vector.shape_cast %get3A_364 : vector<1x16xf32> to vector<16xf32>
        %mul3A_366 = arith.constant 3.000000e-01 : f32
        %mul3A_367 = vector.broadcast %mul3A_366 : f32 to vector<16xf32>
        %mul3A_368 = arith.mulf %mul3A_367, %get3A_365 : vector<16xf32>
        %add3A_369 = arith.addf %mul3A_361, %mul3A_368 : vector<16xf32>
        %swap3A_370 = arith.index_cast %scan3A_175 : i32 to index
        %swap3A_371 = arith.constant 144 : index
        %swap3A_372 = tpu.vector_load %arg15[%swap3A_370, %swap3A_371] {strides = array<i32>} : memref<48x256xf32, #tpu.memory_space<vmem>>, vector<1x16xf32>,
        %swap3A_373 = vector.shape_cast %swap3A_372 : vector<1x16xf32> to vector<16xf32>
        %swap3A_374 = vector.shape_cast %add3A_369 : vector<16xf32> to vector<1x16xf32>
        tpu.vector_store %arg15[%swap3A_370, %swap3A_371], %swap3A_374 {strides = array<i32>} : memref<48x256xf32, #tpu.memory_space<vmem>>, vector<1x16xf32>,
        %get3A_375 = arith.index_cast %scan3A_175 : i32 to index
        %get3A_376 = arith.constant 160 : index
        %get3A_377 = tpu.vector_load %arg9[%get3A_375, %get3A_376] {strides = array<i32>} : memref<48x256xf32, #tpu.memory_space<vmem>>, vector<1x16xf32>,
        %get3A_378 = vector.shape_cast %get3A_377 : vector<1x16xf32> to vector<16xf32>
        %mul3A_379 = arith.constant 0.699999988 : f32
        %mul3A_380 = vector.broadcast %mul3A_379 : f32 to vector<16xf32>
        %mul3A_381 = arith.mulf %mul3A_380, %get3A_378 : vector<16xf32>
        %get3A_382 = arith.index_cast %scan3A_175 : i32 to index
        %get3A_383 = arith.constant 160 : index
        %get3A_384 = tpu.vector_load %arg12[%get3A_382, %get3A_383] {strides = array<i32>} : memref<48x256xf32, #tpu.memory_space<vmem>>, vector<1x16xf32>,
        %get3A_385 = vector.shape_cast %get3A_384 : vector<1x16xf32> to vector<16xf32>
        %mul3A_386 = arith.constant 3.000000e-01 : f32
        %mul3A_387 = vector.broadcast %mul3A_386 : f32 to vector<16xf32>
        %mul3A_388 = arith.mulf %mul3A_387, %get3A_385 : vector<16xf32>
        %add3A_389 = arith.addf %mul3A_381, %mul3A_388 : vector<16xf32>
        %swap3A_390 = arith.index_cast %scan3A_175 : i32 to index
        %swap3A_391 = arith.constant 160 : index
        %swap3A_392 = tpu.vector_load %arg15[%swap3A_390, %swap3A_391] {strides = array<i32>} : memref<48x256xf32, #tpu.memory_space<vmem>>, vector<1x16xf32>,
        %swap3A_393 = vector.shape_cast %swap3A_392 : vector<1x16xf32> to vector<16xf32>
        %swap3A_394 = vector.shape_cast %add3A_389 : vector<16xf32> to vector<1x16xf32>
        tpu.vector_store %arg15[%swap3A_390, %swap3A_391], %swap3A_394 {strides = array<i32>} : memref<48x256xf32, #tpu.memory_space<vmem>>, vector<1x16xf32>,
        %get3A_395 = arith.index_cast %scan3A_175 : i32 to index
        %get3A_396 = arith.constant 176 : index
        %get3A_397 = tpu.vector_load %arg9[%get3A_395, %get3A_396] {strides = array<i32>} : memref<48x256xf32, #tpu.memory_space<vmem>>, vector<1x16xf32>,
        %get3A_398 = vector.shape_cast %get3A_397 : vector<1x16xf32> to vector<16xf32>
        %mul3A_399 = arith.constant 0.699999988 : f32
        %mul3A_400 = vector.broadcast %mul3A_399 : f32 to vector<16xf32>
        %mul3A_401 = arith.mulf %mul3A_400, %get3A_398 : vector<16xf32>
        %get3A_402 = arith.index_cast %scan3A_175 : i32 to index
        %get3A_403 = arith.constant 176 : index
        %get3A_404 = tpu.vector_load %arg12[%get3A_402, %get3A_403] {strides = array<i32>} : memref<48x256xf32, #tpu.memory_space<vmem>>, vector<1x16xf32>,
        %get3A_405 = vector.shape_cast %get3A_404 : vector<1x16xf32> to vector<16xf32>
        %mul3A_406 = arith.constant 3.000000e-01 : f32
        %mul3A_407 = vector.broadcast %mul3A_406 : f32 to vector<16xf32>
        %mul3A_408 = arith.mulf %mul3A_407, %get3A_405 : vector<16xf32>
        %add3A_409 = arith.addf %mul3A_401, %mul3A_408 : vector<16xf32>
        %swap3A_410 = arith.index_cast %scan3A_175 : i32 to index
        %swap3A_411 = arith.constant 176 : index
        %swap3A_412 = tpu.vector_load %arg15[%swap3A_410, %swap3A_411] {strides = array<i32>} : memref<48x256xf32, #tpu.memory_space<vmem>>, vector<1x16xf32>,
        %swap3A_413 = vector.shape_cast %swap3A_412 : vector<1x16xf32> to vector<16xf32>
        %swap3A_414 = vector.shape_cast %add3A_409 : vector<16xf32> to vector<1x16xf32>
        tpu.vector_store %arg15[%swap3A_410, %swap3A_411], %swap3A_414 {strides = array<i32>} : memref<48x256xf32, #tpu.memory_space<vmem>>, vector<1x16xf32>,
        %get3A_415 = arith.index_cast %scan3A_175 : i32 to index
        %get3A_416 = arith.constant 192 : index
        %get3A_417 = tpu.vector_load %arg9[%get3A_415, %get3A_416] {strides = array<i32>} : memref<48x256xf32, #tpu.memory_space<vmem>>, vector<1x16xf32>,
        %get3A_418 = vector.shape_cast %get3A_417 : vector<1x16xf32> to vector<16xf32>
        %mul3A_419 = arith.constant 0.699999988 : f32
        %mul3A_420 = vector.broadcast %mul3A_419 : f32 to vector<16xf32>
        %mul3A_421 = arith.mulf %mul3A_420, %get3A_418 : vector<16xf32>
        %get3A_422 = arith.index_cast %scan3A_175 : i32 to index
        %get3A_423 = arith.constant 192 : index
        %get3A_424 = tpu.vector_load %arg12[%get3A_422, %get3A_423] {strides = array<i32>} : memref<48x256xf32, #tpu.memory_space<vmem>>, vector<1x16xf32>,
        %get3A_425 = vector.shape_cast %get3A_424 : vector<1x16xf32> to vector<16xf32>
        %mul3A_426 = arith.constant 3.000000e-01 : f32
        %mul3A_427 = vector.broadcast %mul3A_426 : f32 to vector<16xf32>
        %mul3A_428 = arith.mulf %mul3A_427, %get3A_425 : vector<16xf32>
        %add3A_429 = arith.addf %mul3A_421, %mul3A_428 : vector<16xf32>
        %swap3A_430 = arith.index_cast %scan3A_175 : i32 to index
        %swap3A_431 = arith.constant 192 : index
        %swap3A_432 = tpu.vector_load %arg15[%swap3A_430, %swap3A_431] {strides = array<i32>} : memref<48x256xf32, #tpu.memory_space<vmem>>, vector<1x16xf32>,
        %swap3A_433 = vector.shape_cast %swap3A_432 : vector<1x16xf32> to vector<16xf32>
        %swap3A_434 = vector.shape_cast %add3A_429 : vector<16xf32> to vector<1x16xf32>
        tpu.vector_store %arg15[%swap3A_430, %swap3A_431], %swap3A_434 {strides = array<i32>} : memref<48x256xf32, #tpu.memory_space<vmem>>, vector<1x16xf32>,
        %get3A_435 = arith.index_cast %scan3A_175 : i32 to index
        %get3A_436 = arith.constant 208 : index
        %get3A_437 = tpu.vector_load %arg9[%get3A_435, %get3A_436] {strides = array<i32>} : memref<48x256xf32, #tpu.memory_space<vmem>>, vector<1x16xf32>,
        %get3A_438 = vector.shape_cast %get3A_437 : vector<1x16xf32> to vector<16xf32>
        %mul3A_439 = arith.constant 0.699999988 : f32
        %mul3A_440 = vector.broadcast %mul3A_439 : f32 to vector<16xf32>
        %mul3A_441 = arith.mulf %mul3A_440, %get3A_438 : vector<16xf32>
        %get3A_442 = arith.index_cast %scan3A_175 : i32 to index
        %get3A_443 = arith.constant 208 : index
        %get3A_444 = tpu.vector_load %arg12[%get3A_442, %get3A_443] {strides = array<i32>} : memref<48x256xf32, #tpu.memory_space<vmem>>, vector<1x16xf32>,
        %get3A_445 = vector.shape_cast %get3A_444 : vector<1x16xf32> to vector<16xf32>
        %mul3A_446 = arith.constant 3.000000e-01 : f32
        %mul3A_447 = vector.broadcast %mul3A_446 : f32 to vector<16xf32>
        %mul3A_448 = arith.mulf %mul3A_447, %get3A_445 : vector<16xf32>
        %add3A_449 = arith.addf %mul3A_441, %mul3A_448 : vector<16xf32>
        %swap3A_450 = arith.index_cast %scan3A_175 : i32 to index
        %swap3A_451 = arith.constant 208 : index
        %swap3A_452 = tpu.vector_load %arg15[%swap3A_450, %swap3A_451] {strides = array<i32>} : memref<48x256xf32, #tpu.memory_space<vmem>>, vector<1x16xf32>,
        %swap3A_453 = vector.shape_cast %swap3A_452 : vector<1x16xf32> to vector<16xf32>
        %swap3A_454 = vector.shape_cast %add3A_449 : vector<16xf32> to vector<1x16xf32>
        tpu.vector_store %arg15[%swap3A_450, %swap3A_451], %swap3A_454 {strides = array<i32>} : memref<48x256xf32, #tpu.memory_space<vmem>>, vector<1x16xf32>,
        %get3A_455 = arith.index_cast %scan3A_175 : i32 to index
        %get3A_456 = arith.constant 224 : index
        %get3A_457 = tpu.vector_load %arg9[%get3A_455, %get3A_456] {strides = array<i32>} : memref<48x256xf32, #tpu.memory_space<vmem>>, vector<1x16xf32>,
        %get3A_458 = vector.shape_cast %get3A_457 : vector<1x16xf32> to vector<16xf32>
        %mul3A_459 = arith.constant 0.699999988 : f32
        %mul3A_460 = vector.broadcast %mul3A_459 : f32 to vector<16xf32>
        %mul3A_461 = arith.mulf %mul3A_460, %get3A_458 : vector<16xf32>
        %get3A_462 = arith.index_cast %scan3A_175 : i32 to index
        %get3A_463 = arith.constant 224 : index
        %get3A_464 = tpu.vector_load %arg12[%get3A_462, %get3A_463] {strides = array<i32>} : memref<48x256xf32, #tpu.memory_space<vmem>>, vector<1x16xf32>,
        %get3A_465 = vector.shape_cast %get3A_464 : vector<1x16xf32> to vector<16xf32>
        %mul3A_466 = arith.constant 3.000000e-01 : f32
        %mul3A_467 = vector.broadcast %mul3A_466 : f32 to vector<16xf32>
        %mul3A_468 = arith.mulf %mul3A_467, %get3A_465 : vector<16xf32>
        %add3A_469 = arith.addf %mul3A_461, %mul3A_468 : vector<16xf32>
        %swap3A_470 = arith.index_cast %scan3A_175 : i32 to index
        %swap3A_471 = arith.constant 224 : index
        %swap3A_472 = tpu.vector_load %arg15[%swap3A_470, %swap3A_471] {strides = array<i32>} : memref<48x256xf32, #tpu.memory_space<vmem>>, vector<1x16xf32>,
        %swap3A_473 = vector.shape_cast %swap3A_472 : vector<1x16xf32> to vector<16xf32>
        %swap3A_474 = vector.shape_cast %add3A_469 : vector<16xf32> to vector<1x16xf32>
        tpu.vector_store %arg15[%swap3A_470, %swap3A_471], %swap3A_474 {strides = array<i32>} : memref<48x256xf32, #tpu.memory_space<vmem>>, vector<1x16xf32>,
        %get3A_475 = arith.index_cast %scan3A_175 : i32 to index
        %get3A_476 = arith.constant 240 : index
        %get3A_477 = tpu.vector_load %arg9[%get3A_475, %get3A_476] {strides = array<i32>} : memref<48x256xf32, #tpu.memory_space<vmem>>, vector<1x16xf32>,
        %get3A_478 = vector.shape_cast %get3A_477 : vector<1x16xf32> to vector<16xf32>
        %mul3A_479 = arith.constant 0.699999988 : f32
        %mul3A_480 = vector.broadcast %mul3A_479 : f32 to vector<16xf32>
        %mul3A_481 = arith.mulf %mul3A_480, %get3A_478 : vector<16xf32>
        %get3A_482 = arith.index_cast %scan3A_175 : i32 to index
        %get3A_483 = arith.constant 240 : index
        %get3A_484 = tpu.vector_load %arg12[%get3A_482, %get3A_483] {strides = array<i32>} : memref<48x256xf32, #tpu.memory_space<vmem>>, vector<1x16xf32>,
        %get3A_485 = vector.shape_cast %get3A_484 : vector<1x16xf32> to vector<16xf32>
        %mul3A_486 = arith.constant 3.000000e-01 : f32
        %mul3A_487 = vector.broadcast %mul3A_486 : f32 to vector<16xf32>
        %mul3A_488 = arith.mulf %mul3A_487, %get3A_485 : vector<16xf32>
        %add3A_489 = arith.addf %mul3A_481, %mul3A_488 : vector<16xf32>
        %swap3A_490 = arith.index_cast %scan3A_175 : i32 to index
        %swap3A_491 = arith.constant 240 : index
        %swap3A_492 = tpu.vector_load %arg15[%swap3A_490, %swap3A_491] {strides = array<i32>} : memref<48x256xf32, #tpu.memory_space<vmem>>, vector<1x16xf32>,
        %swap3A_493 = vector.shape_cast %swap3A_492 : vector<1x16xf32> to vector<16xf32>
        %swap3A_494 = vector.shape_cast %add3A_489 : vector<16xf32> to vector<1x16xf32>
        tpu.vector_store %arg15[%swap3A_490, %swap3A_491], %swap3A_494 {strides = array<i32>} : memref<48x256xf32, #tpu.memory_space<vmem>>, vector<1x16xf32>,
        %scan3A_495 = arith.constant 0 : i32
        scf.yield %scan3A_495 : i32
      }
      %scan3A_82 = arith.constant 48 : i32
      %mul3A_83 = arith.constant 48 : i32
      %mul3A_84 = arith.muli %add3A_55, %mul3A_83 : i32
      %add3A_85 = arith.addi %min3A_3, %mul3A_84 : i32
      %dma_start3A_86 = arith.constant 0 : i32
      %dma_start3A_87 = tpu.memref_slice %arg5[%add3A_85, %dma_start3A_86] : memref<50000x256xf32, #tpu.memory_space<hbm>> -> memref<48x256xf32, #tpu.memory_space<hbm>>
      %dma_start3A_88 = arith.constant 0 : i32
      %dma_start3A_89 = tpu.memref_slice %arg5[%add3A_85, %dma_start3A_88] : memref<50000x256xf32, #tpu.memory_space<hbm>> -> memref<48x256xf32, #tpu.memory_space<hbm>>
      tpu.enqueue_dma source(%arg15 : memref<48x256xf32, #tpu.memory_space<vmem>>) target(%dma_start3A_89 : memref<48x256xf32, #tpu.memory_space<hbm>>) target_semaphore(%arg24 : memref<!tpu.dma_semaphore, #tpu.memory_space<semaphore_mem>>)
      %mul3A_90 = arith.constant 3 : i32
      %mul3A_91 = arith.muli %mul3A_90, %scan3A_50 : i32
      %add3A_92 = arith.constant 1 : i32
      %add3A_93 = arith.addi %mul3A_91, %add3A_92 : i32
      %dma_wait3A_94 = arith.constant 0 : i32
      %dma_wait3A_95 = arith.constant 0 : i32
      %dma_wait3A_96 = tpu.memref_slice %arg2[%dma_wait3A_94, %dma_wait3A_95] : memref<50000x256xf32, #tpu.memory_space<hbm>> -> memref<48x256xf32, #tpu.memory_space<hbm>>
      %dma_wait3A_97 = arith.constant 0 : i32
      %dma_wait3A_98 = arith.constant 0 : i32
      %dma_wait3A_99 = tpu.memref_slice %arg2[%dma_wait3A_97, %dma_wait3A_98] : memref<50000x256xf32, #tpu.memory_space<hbm>> -> memref<48x256xf32, #tpu.memory_space<hbm>>
      tpu.wait_dma2 semaphore(%arg19 : memref<!tpu.dma_semaphore, #tpu.memory_space<semaphore_mem>>) src(%dma_wait3A_99 : memref<48x256xf32, #tpu.memory_space<hbm>>) dst(%arg10 : memref<48x256xf32, #tpu.memory_space<vmem>>)
      %dma_wait3A_100 = arith.constant 0 : i32
      %dma_wait3A_101 = arith.constant 0 : i32
      %dma_wait3A_102 = tpu.memref_slice %arg2[%dma_wait3A_100, %dma_wait3A_101] : memref<50000x256xf32, #tpu.memory_space<hbm>> -> memref<48x256xf32, #tpu.memory_space<hbm>>
      %dma_wait3A_103 = arith.constant 0 : i32
      %dma_wait3A_104 = arith.constant 0 : i32
      %dma_wait3A_105 = tpu.memref_slice %arg2[%dma_wait3A_103, %dma_wait3A_104] : memref<50000x256xf32, #tpu.memory_space<hbm>> -> memref<48x256xf32, #tpu.memory_space<hbm>>
      tpu.wait_dma2 semaphore(%arg22 : memref<!tpu.dma_semaphore, #tpu.memory_space<semaphore_mem>>) src(%dma_wait3A_105 : memref<48x256xf32, #tpu.memory_space<hbm>>) dst(%arg13 : memref<48x256xf32, #tpu.memory_space<vmem>>)
      %add3A_106 = arith.constant 2 : i32
      %add3A_107 = arith.addi %add3A_93, %add3A_106 : i32
      %lt3A_108 = arith.constant 33 : i32
      %lt3A_109 = arith.cmpi slt, %add3A_107, %lt3A_108 : i32
      %convert_element_type3A_110 = arith.extui %lt3A_109 : i1 to i32
      %cond3A_111 = arith.constant 0 : i32
      %cond3A_112 = arith.cmpi ne, %convert_element_type3A_110, %cond3A_111 : i32
      scf.if %cond3A_112 {
        %add3A_175 = arith.constant 2 : i32
        %add3A_176 = arith.addi %add3A_93, %add3A_175 : i32
        %mul3A_177 = arith.constant 48 : i32
        %mul3A_178 = arith.muli %add3A_176, %mul3A_177 : i32
        %add3A_179 = arith.addi %min3A_3, %mul3A_178 : i32
        %dma_start3A_180 = arith.constant 0 : i32
        %dma_start3A_181 = tpu.memref_slice %arg2[%add3A_179, %dma_start3A_180] : memref<50000x256xf32, #tpu.memory_space<hbm>> -> memref<48x256xf32, #tpu.memory_space<hbm>>
        %dma_start3A_182 = arith.constant 0 : i32
        %dma_start3A_183 = tpu.memref_slice %arg2[%add3A_179, %dma_start3A_182] : memref<50000x256xf32, #tpu.memory_space<hbm>> -> memref<48x256xf32, #tpu.memory_space<hbm>>
        tpu.enqueue_dma source(%dma_start3A_183 : memref<48x256xf32, #tpu.memory_space<hbm>>) target(%arg9 : memref<48x256xf32, #tpu.memory_space<vmem>>) target_semaphore(%arg18 : memref<!tpu.dma_semaphore, #tpu.memory_space<semaphore_mem>>)
        %mul3A_184 = arith.constant 48 : i32
        %mul3A_185 = arith.muli %add3A_176, %mul3A_184 : i32
        %dma_start3A_186 = tpu.memref_slice %arg7[%mul3A_185] : memref<1584xi32, #tpu.memory_space<vmem>> -> memref<48xi32, #tpu.memory_space<vmem>>
        %dma_start3A_187 = arith.constant 0 : i32
        %dma_start3A_188 = arith.constant 0 : i32
        %dma_start3A_189 = tpu.memref_slice %arg2[%dma_start3A_187, %dma_start3A_188] : memref<50000x256xf32, #tpu.memory_space<hbm>> -> memref<50000x256xf32, #tpu.memory_space<hbm>>
        tpu.enqueue_indirect_dma source(%dma_start3A_189 : memref<50000x256xf32, #tpu.memory_space<hbm>>) target(%arg12 : memref<48x256xf32, #tpu.memory_space<vmem>>) offsets(%dma_start3A_186 : memref<48xi32, #tpu.memory_space<vmem>>) semaphore(%arg21 : memref<!tpu.dma_semaphore, #tpu.memory_space<semaphore_mem>>)
      } else {
      }
      %ge3A_113 = arith.constant 3 : i32
      %ge3A_114 = arith.cmpi sge, %add3A_93, %ge3A_113 : i32
      %convert_element_type3A_115 = arith.extui %ge3A_114 : i1 to i32
      %cond3A_116 = arith.constant 0 : i32
      %cond3A_117 = arith.cmpi ne, %convert_element_type3A_115, %cond3A_116 : i32
      scf.if %cond3A_117 {
        %dma_wait3A_175 = arith.constant 0 : i32
        %dma_wait3A_176 = tpu.memref_slice %arg5[%min3A_3, %dma_wait3A_175] : memref<50000x256xf32, #tpu.memory_space<hbm>> -> memref<48x256xf32, #tpu.memory_space<hbm>>
        %dma_wait3A_177 = arith.constant 0 : i32
        %dma_wait3A_178 = tpu.memref_slice %arg5[%min3A_3, %dma_wait3A_177] : memref<50000x256xf32, #tpu.memory_space<hbm>> -> memref<48x256xf32, #tpu.memory_space<hbm>>
        tpu.wait_dma2 semaphore(%arg25 : memref<!tpu.dma_semaphore, #tpu.memory_space<semaphore_mem>>) src(%arg16 : memref<48x256xf32, #tpu.memory_space<vmem>>) dst(%dma_wait3A_178 : memref<48x256xf32, #tpu.memory_space<hbm>>)
      } else {
      }
      %scan3A_118 = arith.constant 0 : i32
      %scan3A_119 = arith.constant 0 : i32
      %scan3A_120 = arith.constant 48 : i32
      %scan3A_121 = arith.addi %scan3A_119, %scan3A_120 : i32
      %scan3A_122 = arith.constant 1 : i32
      %scan3A_123 = scf.for %scan3A_175 = %scan3A_119 to %scan3A_121 step %scan3A_122 iter_args(%scan3A_176 = %scan3A_118) -> (i32)  : i32 {
        %get3A = arith.index_cast %scan3A_175 : i32 to index
        %get3A_177 = arith.constant 0 : index
        %get3A_178 = tpu.vector_load %arg10[%get3A, %get3A_177] {strides = array<i32>} : memref<48x256xf32, #tpu.memory_space<vmem>>, vector<1x16xf32>,
        %get3A_179 = vector.shape_cast %get3A_178 : vector<1x16xf32> to vector<16xf32>
        %mul3A_180 = arith.constant 0.699999988 : f32
        %mul3A_181 = vector.broadcast %mul3A_180 : f32 to vector<16xf32>
        %mul3A_182 = arith.mulf %mul3A_181, %get3A_179 : vector<16xf32>
        %get3A_183 = arith.index_cast %scan3A_175 : i32 to index
        %get3A_184 = arith.constant 0 : index
        %get3A_185 = tpu.vector_load %arg13[%get3A_183, %get3A_184] {strides = array<i32>} : memref<48x256xf32, #tpu.memory_space<vmem>>, vector<1x16xf32>,
        %get3A_186 = vector.shape_cast %get3A_185 : vector<1x16xf32> to vector<16xf32>
        %mul3A_187 = arith.constant 3.000000e-01 : f32
        %mul3A_188 = vector.broadcast %mul3A_187 : f32 to vector<16xf32>
        %mul3A_189 = arith.mulf %mul3A_188, %get3A_186 : vector<16xf32>
        %add3A_190 = arith.addf %mul3A_182, %mul3A_189 : vector<16xf32>
        %swap3A = arith.index_cast %scan3A_175 : i32 to index
        %swap3A_191 = arith.constant 0 : index
        %swap3A_192 = tpu.vector_load %arg16[%swap3A, %swap3A_191] {strides = array<i32>} : memref<48x256xf32, #tpu.memory_space<vmem>>, vector<1x16xf32>,
        %swap3A_193 = vector.shape_cast %swap3A_192 : vector<1x16xf32> to vector<16xf32>
        %swap3A_194 = vector.shape_cast %add3A_190 : vector<16xf32> to vector<1x16xf32>
        tpu.vector_store %arg16[%swap3A, %swap3A_191], %swap3A_194 {strides = array<i32>} : memref<48x256xf32, #tpu.memory_space<vmem>>, vector<1x16xf32>,
        %get3A_195 = arith.index_cast %scan3A_175 : i32 to index
        %get3A_196 = arith.constant 16 : index
        %get3A_197 = tpu.vector_load %arg10[%get3A_195, %get3A_196] {strides = array<i32>} : memref<48x256xf32, #tpu.memory_space<vmem>>, vector<1x16xf32>,
        %get3A_198 = vector.shape_cast %get3A_197 : vector<1x16xf32> to vector<16xf32>
        %mul3A_199 = arith.constant 0.699999988 : f32
        %mul3A_200 = vector.broadcast %mul3A_199 : f32 to vector<16xf32>
        %mul3A_201 = arith.mulf %mul3A_200, %get3A_198 : vector<16xf32>
        %get3A_202 = arith.index_cast %scan3A_175 : i32 to index
        %get3A_203 = arith.constant 16 : index
        %get3A_204 = tpu.vector_load %arg13[%get3A_202, %get3A_203] {strides = array<i32>} : memref<48x256xf32, #tpu.memory_space<vmem>>, vector<1x16xf32>,
        %get3A_205 = vector.shape_cast %get3A_204 : vector<1x16xf32> to vector<16xf32>
        %mul3A_206 = arith.constant 3.000000e-01 : f32
        %mul3A_207 = vector.broadcast %mul3A_206 : f32 to vector<16xf32>
        %mul3A_208 = arith.mulf %mul3A_207, %get3A_205 : vector<16xf32>
        %add3A_209 = arith.addf %mul3A_201, %mul3A_208 : vector<16xf32>
        %swap3A_210 = arith.index_cast %scan3A_175 : i32 to index
        %swap3A_211 = arith.constant 16 : index
        %swap3A_212 = tpu.vector_load %arg16[%swap3A_210, %swap3A_211] {strides = array<i32>} : memref<48x256xf32, #tpu.memory_space<vmem>>, vector<1x16xf32>,
        %swap3A_213 = vector.shape_cast %swap3A_212 : vector<1x16xf32> to vector<16xf32>
        %swap3A_214 = vector.shape_cast %add3A_209 : vector<16xf32> to vector<1x16xf32>
        tpu.vector_store %arg16[%swap3A_210, %swap3A_211], %swap3A_214 {strides = array<i32>} : memref<48x256xf32, #tpu.memory_space<vmem>>, vector<1x16xf32>,
        %get3A_215 = arith.index_cast %scan3A_175 : i32 to index
        %get3A_216 = arith.constant 32 : index
        %get3A_217 = tpu.vector_load %arg10[%get3A_215, %get3A_216] {strides = array<i32>} : memref<48x256xf32, #tpu.memory_space<vmem>>, vector<1x16xf32>,
        %get3A_218 = vector.shape_cast %get3A_217 : vector<1x16xf32> to vector<16xf32>
        %mul3A_219 = arith.constant 0.699999988 : f32
        %mul3A_220 = vector.broadcast %mul3A_219 : f32 to vector<16xf32>
        %mul3A_221 = arith.mulf %mul3A_220, %get3A_218 : vector<16xf32>
        %get3A_222 = arith.index_cast %scan3A_175 : i32 to index
        %get3A_223 = arith.constant 32 : index
        %get3A_224 = tpu.vector_load %arg13[%get3A_222, %get3A_223] {strides = array<i32>} : memref<48x256xf32, #tpu.memory_space<vmem>>, vector<1x16xf32>,
        %get3A_225 = vector.shape_cast %get3A_224 : vector<1x16xf32> to vector<16xf32>
        %mul3A_226 = arith.constant 3.000000e-01 : f32
        %mul3A_227 = vector.broadcast %mul3A_226 : f32 to vector<16xf32>
        %mul3A_228 = arith.mulf %mul3A_227, %get3A_225 : vector<16xf32>
        %add3A_229 = arith.addf %mul3A_221, %mul3A_228 : vector<16xf32>
        %swap3A_230 = arith.index_cast %scan3A_175 : i32 to index
        %swap3A_231 = arith.constant 32 : index
        %swap3A_232 = tpu.vector_load %arg16[%swap3A_230, %swap3A_231] {strides = array<i32>} : memref<48x256xf32, #tpu.memory_space<vmem>>, vector<1x16xf32>,
        %swap3A_233 = vector.shape_cast %swap3A_232 : vector<1x16xf32> to vector<16xf32>
        %swap3A_234 = vector.shape_cast %add3A_229 : vector<16xf32> to vector<1x16xf32>
        tpu.vector_store %arg16[%swap3A_230, %swap3A_231], %swap3A_234 {strides = array<i32>} : memref<48x256xf32, #tpu.memory_space<vmem>>, vector<1x16xf32>,
        %get3A_235 = arith.index_cast %scan3A_175 : i32 to index
        %get3A_236 = arith.constant 48 : index
        %get3A_237 = tpu.vector_load %arg10[%get3A_235, %get3A_236] {strides = array<i32>} : memref<48x256xf32, #tpu.memory_space<vmem>>, vector<1x16xf32>,
        %get3A_238 = vector.shape_cast %get3A_237 : vector<1x16xf32> to vector<16xf32>
        %mul3A_239 = arith.constant 0.699999988 : f32
        %mul3A_240 = vector.broadcast %mul3A_239 : f32 to vector<16xf32>
        %mul3A_241 = arith.mulf %mul3A_240, %get3A_238 : vector<16xf32>
        %get3A_242 = arith.index_cast %scan3A_175 : i32 to index
        %get3A_243 = arith.constant 48 : index
        %get3A_244 = tpu.vector_load %arg13[%get3A_242, %get3A_243] {strides = array<i32>} : memref<48x256xf32, #tpu.memory_space<vmem>>, vector<1x16xf32>,
        %get3A_245 = vector.shape_cast %get3A_244 : vector<1x16xf32> to vector<16xf32>
        %mul3A_246 = arith.constant 3.000000e-01 : f32
        %mul3A_247 = vector.broadcast %mul3A_246 : f32 to vector<16xf32>
        %mul3A_248 = arith.mulf %mul3A_247, %get3A_245 : vector<16xf32>
        %add3A_249 = arith.addf %mul3A_241, %mul3A_248 : vector<16xf32>
        %swap3A_250 = arith.index_cast %scan3A_175 : i32 to index
        %swap3A_251 = arith.constant 48 : index
        %swap3A_252 = tpu.vector_load %arg16[%swap3A_250, %swap3A_251] {strides = array<i32>} : memref<48x256xf32, #tpu.memory_space<vmem>>, vector<1x16xf32>,
        %swap3A_253 = vector.shape_cast %swap3A_252 : vector<1x16xf32> to vector<16xf32>
        %swap3A_254 = vector.shape_cast %add3A_249 : vector<16xf32> to vector<1x16xf32>
        tpu.vector_store %arg16[%swap3A_250, %swap3A_251], %swap3A_254 {strides = array<i32>} : memref<48x256xf32, #tpu.memory_space<vmem>>, vector<1x16xf32>,
        %get3A_255 = arith.index_cast %scan3A_175 : i32 to index
        %get3A_256 = arith.constant 64 : index
        %get3A_257 = tpu.vector_load %arg10[%get3A_255, %get3A_256] {strides = array<i32>} : memref<48x256xf32, #tpu.memory_space<vmem>>, vector<1x16xf32>,
        %get3A_258 = vector.shape_cast %get3A_257 : vector<1x16xf32> to vector<16xf32>
        %mul3A_259 = arith.constant 0.699999988 : f32
        %mul3A_260 = vector.broadcast %mul3A_259 : f32 to vector<16xf32>
        %mul3A_261 = arith.mulf %mul3A_260, %get3A_258 : vector<16xf32>
        %get3A_262 = arith.index_cast %scan3A_175 : i32 to index
        %get3A_263 = arith.constant 64 : index
        %get3A_264 = tpu.vector_load %arg13[%get3A_262, %get3A_263] {strides = array<i32>} : memref<48x256xf32, #tpu.memory_space<vmem>>, vector<1x16xf32>,
        %get3A_265 = vector.shape_cast %get3A_264 : vector<1x16xf32> to vector<16xf32>
        %mul3A_266 = arith.constant 3.000000e-01 : f32
        %mul3A_267 = vector.broadcast %mul3A_266 : f32 to vector<16xf32>
        %mul3A_268 = arith.mulf %mul3A_267, %get3A_265 : vector<16xf32>
        %add3A_269 = arith.addf %mul3A_261, %mul3A_268 : vector<16xf32>
        %swap3A_270 = arith.index_cast %scan3A_175 : i32 to index
        %swap3A_271 = arith.constant 64 : index
        %swap3A_272 = tpu.vector_load %arg16[%swap3A_270, %swap3A_271] {strides = array<i32>} : memref<48x256xf32, #tpu.memory_space<vmem>>, vector<1x16xf32>,
        %swap3A_273 = vector.shape_cast %swap3A_272 : vector<1x16xf32> to vector<16xf32>
        %swap3A_274 = vector.shape_cast %add3A_269 : vector<16xf32> to vector<1x16xf32>
        tpu.vector_store %arg16[%swap3A_270, %swap3A_271], %swap3A_274 {strides = array<i32>} : memref<48x256xf32, #tpu.memory_space<vmem>>, vector<1x16xf32>,
        %get3A_275 = arith.index_cast %scan3A_175 : i32 to index
        %get3A_276 = arith.constant 80 : index
        %get3A_277 = tpu.vector_load %arg10[%get3A_275, %get3A_276] {strides = array<i32>} : memref<48x256xf32, #tpu.memory_space<vmem>>, vector<1x16xf32>,
        %get3A_278 = vector.shape_cast %get3A_277 : vector<1x16xf32> to vector<16xf32>
        %mul3A_279 = arith.constant 0.699999988 : f32
        %mul3A_280 = vector.broadcast %mul3A_279 : f32 to vector<16xf32>
        %mul3A_281 = arith.mulf %mul3A_280, %get3A_278 : vector<16xf32>
        %get3A_282 = arith.index_cast %scan3A_175 : i32 to index
        %get3A_283 = arith.constant 80 : index
        %get3A_284 = tpu.vector_load %arg13[%get3A_282, %get3A_283] {strides = array<i32>} : memref<48x256xf32, #tpu.memory_space<vmem>>, vector<1x16xf32>,
        %get3A_285 = vector.shape_cast %get3A_284 : vector<1x16xf32> to vector<16xf32>
        %mul3A_286 = arith.constant 3.000000e-01 : f32
        %mul3A_287 = vector.broadcast %mul3A_286 : f32 to vector<16xf32>
        %mul3A_288 = arith.mulf %mul3A_287, %get3A_285 : vector<16xf32>
        %add3A_289 = arith.addf %mul3A_281, %mul3A_288 : vector<16xf32>
        %swap3A_290 = arith.index_cast %scan3A_175 : i32 to index
        %swap3A_291 = arith.constant 80 : index
        %swap3A_292 = tpu.vector_load %arg16[%swap3A_290, %swap3A_291] {strides = array<i32>} : memref<48x256xf32, #tpu.memory_space<vmem>>, vector<1x16xf32>,
        %swap3A_293 = vector.shape_cast %swap3A_292 : vector<1x16xf32> to vector<16xf32>
        %swap3A_294 = vector.shape_cast %add3A_289 : vector<16xf32> to vector<1x16xf32>
        tpu.vector_store %arg16[%swap3A_290, %swap3A_291], %swap3A_294 {strides = array<i32>} : memref<48x256xf32, #tpu.memory_space<vmem>>, vector<1x16xf32>,
        %get3A_295 = arith.index_cast %scan3A_175 : i32 to index
        %get3A_296 = arith.constant 96 : index
        %get3A_297 = tpu.vector_load %arg10[%get3A_295, %get3A_296] {strides = array<i32>} : memref<48x256xf32, #tpu.memory_space<vmem>>, vector<1x16xf32>,
        %get3A_298 = vector.shape_cast %get3A_297 : vector<1x16xf32> to vector<16xf32>
        %mul3A_299 = arith.constant 0.699999988 : f32
        %mul3A_300 = vector.broadcast %mul3A_299 : f32 to vector<16xf32>
        %mul3A_301 = arith.mulf %mul3A_300, %get3A_298 : vector<16xf32>
        %get3A_302 = arith.index_cast %scan3A_175 : i32 to index
        %get3A_303 = arith.constant 96 : index
        %get3A_304 = tpu.vector_load %arg13[%get3A_302, %get3A_303] {strides = array<i32>} : memref<48x256xf32, #tpu.memory_space<vmem>>, vector<1x16xf32>,
        %get3A_305 = vector.shape_cast %get3A_304 : vector<1x16xf32> to vector<16xf32>
        %mul3A_306 = arith.constant 3.000000e-01 : f32
        %mul3A_307 = vector.broadcast %mul3A_306 : f32 to vector<16xf32>
        %mul3A_308 = arith.mulf %mul3A_307, %get3A_305 : vector<16xf32>
        %add3A_309 = arith.addf %mul3A_301, %mul3A_308 : vector<16xf32>
        %swap3A_310 = arith.index_cast %scan3A_175 : i32 to index
        %swap3A_311 = arith.constant 96 : index
        %swap3A_312 = tpu.vector_load %arg16[%swap3A_310, %swap3A_311] {strides = array<i32>} : memref<48x256xf32, #tpu.memory_space<vmem>>, vector<1x16xf32>,
        %swap3A_313 = vector.shape_cast %swap3A_312 : vector<1x16xf32> to vector<16xf32>
        %swap3A_314 = vector.shape_cast %add3A_309 : vector<16xf32> to vector<1x16xf32>
        tpu.vector_store %arg16[%swap3A_310, %swap3A_311], %swap3A_314 {strides = array<i32>} : memref<48x256xf32, #tpu.memory_space<vmem>>, vector<1x16xf32>,
        %get3A_315 = arith.index_cast %scan3A_175 : i32 to index
        %get3A_316 = arith.constant 112 : index
        %get3A_317 = tpu.vector_load %arg10[%get3A_315, %get3A_316] {strides = array<i32>} : memref<48x256xf32, #tpu.memory_space<vmem>>, vector<1x16xf32>,
        %get3A_318 = vector.shape_cast %get3A_317 : vector<1x16xf32> to vector<16xf32>
        %mul3A_319 = arith.constant 0.699999988 : f32
        %mul3A_320 = vector.broadcast %mul3A_319 : f32 to vector<16xf32>
        %mul3A_321 = arith.mulf %mul3A_320, %get3A_318 : vector<16xf32>
        %get3A_322 = arith.index_cast %scan3A_175 : i32 to index
        %get3A_323 = arith.constant 112 : index
        %get3A_324 = tpu.vector_load %arg13[%get3A_322, %get3A_323] {strides = array<i32>} : memref<48x256xf32, #tpu.memory_space<vmem>>, vector<1x16xf32>,
        %get3A_325 = vector.shape_cast %get3A_324 : vector<1x16xf32> to vector<16xf32>
        %mul3A_326 = arith.constant 3.000000e-01 : f32
        %mul3A_327 = vector.broadcast %mul3A_326 : f32 to vector<16xf32>
        %mul3A_328 = arith.mulf %mul3A_327, %get3A_325 : vector<16xf32>
        %add3A_329 = arith.addf %mul3A_321, %mul3A_328 : vector<16xf32>
        %swap3A_330 = arith.index_cast %scan3A_175 : i32 to index
        %swap3A_331 = arith.constant 112 : index
        %swap3A_332 = tpu.vector_load %arg16[%swap3A_330, %swap3A_331] {strides = array<i32>} : memref<48x256xf32, #tpu.memory_space<vmem>>, vector<1x16xf32>,
        %swap3A_333 = vector.shape_cast %swap3A_332 : vector<1x16xf32> to vector<16xf32>
        %swap3A_334 = vector.shape_cast %add3A_329 : vector<16xf32> to vector<1x16xf32>
        tpu.vector_store %arg16[%swap3A_330, %swap3A_331], %swap3A_334 {strides = array<i32>} : memref<48x256xf32, #tpu.memory_space<vmem>>, vector<1x16xf32>,
        %get3A_335 = arith.index_cast %scan3A_175 : i32 to index
        %get3A_336 = arith.constant 128 : index
        %get3A_337 = tpu.vector_load %arg10[%get3A_335, %get3A_336] {strides = array<i32>} : memref<48x256xf32, #tpu.memory_space<vmem>>, vector<1x16xf32>,
        %get3A_338 = vector.shape_cast %get3A_337 : vector<1x16xf32> to vector<16xf32>
        %mul3A_339 = arith.constant 0.699999988 : f32
        %mul3A_340 = vector.broadcast %mul3A_339 : f32 to vector<16xf32>
        %mul3A_341 = arith.mulf %mul3A_340, %get3A_338 : vector<16xf32>
        %get3A_342 = arith.index_cast %scan3A_175 : i32 to index
        %get3A_343 = arith.constant 128 : index
        %get3A_344 = tpu.vector_load %arg13[%get3A_342, %get3A_343] {strides = array<i32>} : memref<48x256xf32, #tpu.memory_space<vmem>>, vector<1x16xf32>,
        %get3A_345 = vector.shape_cast %get3A_344 : vector<1x16xf32> to vector<16xf32>
        %mul3A_346 = arith.constant 3.000000e-01 : f32
        %mul3A_347 = vector.broadcast %mul3A_346 : f32 to vector<16xf32>
        %mul3A_348 = arith.mulf %mul3A_347, %get3A_345 : vector<16xf32>
        %add3A_349 = arith.addf %mul3A_341, %mul3A_348 : vector<16xf32>
        %swap3A_350 = arith.index_cast %scan3A_175 : i32 to index
        %swap3A_351 = arith.constant 128 : index
        %swap3A_352 = tpu.vector_load %arg16[%swap3A_350, %swap3A_351] {strides = array<i32>} : memref<48x256xf32, #tpu.memory_space<vmem>>, vector<1x16xf32>,
        %swap3A_353 = vector.shape_cast %swap3A_352 : vector<1x16xf32> to vector<16xf32>
        %swap3A_354 = vector.shape_cast %add3A_349 : vector<16xf32> to vector<1x16xf32>
        tpu.vector_store %arg16[%swap3A_350, %swap3A_351], %swap3A_354 {strides = array<i32>} : memref<48x256xf32, #tpu.memory_space<vmem>>, vector<1x16xf32>,
        %get3A_355 = arith.index_cast %scan3A_175 : i32 to index
        %get3A_356 = arith.constant 144 : index
        %get3A_357 = tpu.vector_load %arg10[%get3A_355, %get3A_356] {strides = array<i32>} : memref<48x256xf32, #tpu.memory_space<vmem>>, vector<1x16xf32>,
        %get3A_358 = vector.shape_cast %get3A_357 : vector<1x16xf32> to vector<16xf32>
        %mul3A_359 = arith.constant 0.699999988 : f32
        %mul3A_360 = vector.broadcast %mul3A_359 : f32 to vector<16xf32>
        %mul3A_361 = arith.mulf %mul3A_360, %get3A_358 : vector<16xf32>
        %get3A_362 = arith.index_cast %scan3A_175 : i32 to index
        %get3A_363 = arith.constant 144 : index
        %get3A_364 = tpu.vector_load %arg13[%get3A_362, %get3A_363] {strides = array<i32>} : memref<48x256xf32, #tpu.memory_space<vmem>>, vector<1x16xf32>,
        %get3A_365 = vector.shape_cast %get3A_364 : vector<1x16xf32> to vector<16xf32>
        %mul3A_366 = arith.constant 3.000000e-01 : f32
        %mul3A_367 = vector.broadcast %mul3A_366 : f32 to vector<16xf32>
        %mul3A_368 = arith.mulf %mul3A_367, %get3A_365 : vector<16xf32>
        %add3A_369 = arith.addf %mul3A_361, %mul3A_368 : vector<16xf32>
        %swap3A_370 = arith.index_cast %scan3A_175 : i32 to index
        %swap3A_371 = arith.constant 144 : index
        %swap3A_372 = tpu.vector_load %arg16[%swap3A_370, %swap3A_371] {strides = array<i32>} : memref<48x256xf32, #tpu.memory_space<vmem>>, vector<1x16xf32>,
        %swap3A_373 = vector.shape_cast %swap3A_372 : vector<1x16xf32> to vector<16xf32>
        %swap3A_374 = vector.shape_cast %add3A_369 : vector<16xf32> to vector<1x16xf32>
        tpu.vector_store %arg16[%swap3A_370, %swap3A_371], %swap3A_374 {strides = array<i32>} : memref<48x256xf32, #tpu.memory_space<vmem>>, vector<1x16xf32>,
        %get3A_375 = arith.index_cast %scan3A_175 : i32 to index
        %get3A_376 = arith.constant 160 : index
        %get3A_377 = tpu.vector_load %arg10[%get3A_375, %get3A_376] {strides = array<i32>} : memref<48x256xf32, #tpu.memory_space<vmem>>, vector<1x16xf32>,
        %get3A_378 = vector.shape_cast %get3A_377 : vector<1x16xf32> to vector<16xf32>
        %mul3A_379 = arith.constant 0.699999988 : f32
        %mul3A_380 = vector.broadcast %mul3A_379 : f32 to vector<16xf32>
        %mul3A_381 = arith.mulf %mul3A_380, %get3A_378 : vector<16xf32>
        %get3A_382 = arith.index_cast %scan3A_175 : i32 to index
        %get3A_383 = arith.constant 160 : index
        %get3A_384 = tpu.vector_load %arg13[%get3A_382, %get3A_383] {strides = array<i32>} : memref<48x256xf32, #tpu.memory_space<vmem>>, vector<1x16xf32>,
        %get3A_385 = vector.shape_cast %get3A_384 : vector<1x16xf32> to vector<16xf32>
        %mul3A_386 = arith.constant 3.000000e-01 : f32
        %mul3A_387 = vector.broadcast %mul3A_386 : f32 to vector<16xf32>
        %mul3A_388 = arith.mulf %mul3A_387, %get3A_385 : vector<16xf32>
        %add3A_389 = arith.addf %mul3A_381, %mul3A_388 : vector<16xf32>
        %swap3A_390 = arith.index_cast %scan3A_175 : i32 to index
        %swap3A_391 = arith.constant 160 : index
        %swap3A_392 = tpu.vector_load %arg16[%swap3A_390, %swap3A_391] {strides = array<i32>} : memref<48x256xf32, #tpu.memory_space<vmem>>, vector<1x16xf32>,
        %swap3A_393 = vector.shape_cast %swap3A_392 : vector<1x16xf32> to vector<16xf32>
        %swap3A_394 = vector.shape_cast %add3A_389 : vector<16xf32> to vector<1x16xf32>
        tpu.vector_store %arg16[%swap3A_390, %swap3A_391], %swap3A_394 {strides = array<i32>} : memref<48x256xf32, #tpu.memory_space<vmem>>, vector<1x16xf32>,
        %get3A_395 = arith.index_cast %scan3A_175 : i32 to index
        %get3A_396 = arith.constant 176 : index
        %get3A_397 = tpu.vector_load %arg10[%get3A_395, %get3A_396] {strides = array<i32>} : memref<48x256xf32, #tpu.memory_space<vmem>>, vector<1x16xf32>,
        %get3A_398 = vector.shape_cast %get3A_397 : vector<1x16xf32> to vector<16xf32>
        %mul3A_399 = arith.constant 0.699999988 : f32
        %mul3A_400 = vector.broadcast %mul3A_399 : f32 to vector<16xf32>
        %mul3A_401 = arith.mulf %mul3A_400, %get3A_398 : vector<16xf32>
        %get3A_402 = arith.index_cast %scan3A_175 : i32 to index
        %get3A_403 = arith.constant 176 : index
        %get3A_404 = tpu.vector_load %arg13[%get3A_402, %get3A_403] {strides = array<i32>} : memref<48x256xf32, #tpu.memory_space<vmem>>, vector<1x16xf32>,
        %get3A_405 = vector.shape_cast %get3A_404 : vector<1x16xf32> to vector<16xf32>
        %mul3A_406 = arith.constant 3.000000e-01 : f32
        %mul3A_407 = vector.broadcast %mul3A_406 : f32 to vector<16xf32>
        %mul3A_408 = arith.mulf %mul3A_407, %get3A_405 : vector<16xf32>
        %add3A_409 = arith.addf %mul3A_401, %mul3A_408 : vector<16xf32>
        %swap3A_410 = arith.index_cast %scan3A_175 : i32 to index
        %swap3A_411 = arith.constant 176 : index
        %swap3A_412 = tpu.vector_load %arg16[%swap3A_410, %swap3A_411] {strides = array<i32>} : memref<48x256xf32, #tpu.memory_space<vmem>>, vector<1x16xf32>,
        %swap3A_413 = vector.shape_cast %swap3A_412 : vector<1x16xf32> to vector<16xf32>
        %swap3A_414 = vector.shape_cast %add3A_409 : vector<16xf32> to vector<1x16xf32>
        tpu.vector_store %arg16[%swap3A_410, %swap3A_411], %swap3A_414 {strides = array<i32>} : memref<48x256xf32, #tpu.memory_space<vmem>>, vector<1x16xf32>,
        %get3A_415 = arith.index_cast %scan3A_175 : i32 to index
        %get3A_416 = arith.constant 192 : index
        %get3A_417 = tpu.vector_load %arg10[%get3A_415, %get3A_416] {strides = array<i32>} : memref<48x256xf32, #tpu.memory_space<vmem>>, vector<1x16xf32>,
        %get3A_418 = vector.shape_cast %get3A_417 : vector<1x16xf32> to vector<16xf32>
        %mul3A_419 = arith.constant 0.699999988 : f32
        %mul3A_420 = vector.broadcast %mul3A_419 : f32 to vector<16xf32>
        %mul3A_421 = arith.mulf %mul3A_420, %get3A_418 : vector<16xf32>
        %get3A_422 = arith.index_cast %scan3A_175 : i32 to index
        %get3A_423 = arith.constant 192 : index
        %get3A_424 = tpu.vector_load %arg13[%get3A_422, %get3A_423] {strides = array<i32>} : memref<48x256xf32, #tpu.memory_space<vmem>>, vector<1x16xf32>,
        %get3A_425 = vector.shape_cast %get3A_424 : vector<1x16xf32> to vector<16xf32>
        %mul3A_426 = arith.constant 3.000000e-01 : f32
        %mul3A_427 = vector.broadcast %mul3A_426 : f32 to vector<16xf32>
        %mul3A_428 = arith.mulf %mul3A_427, %get3A_425 : vector<16xf32>
        %add3A_429 = arith.addf %mul3A_421, %mul3A_428 : vector<16xf32>
        %swap3A_430 = arith.index_cast %scan3A_175 : i32 to index
        %swap3A_431 = arith.constant 192 : index
        %swap3A_432 = tpu.vector_load %arg16[%swap3A_430, %swap3A_431] {strides = array<i32>} : memref<48x256xf32, #tpu.memory_space<vmem>>, vector<1x16xf32>,
        %swap3A_433 = vector.shape_cast %swap3A_432 : vector<1x16xf32> to vector<16xf32>
        %swap3A_434 = vector.shape_cast %add3A_429 : vector<16xf32> to vector<1x16xf32>
        tpu.vector_store %arg16[%swap3A_430, %swap3A_431], %swap3A_434 {strides = array<i32>} : memref<48x256xf32, #tpu.memory_space<vmem>>, vector<1x16xf32>,
        %get3A_435 = arith.index_cast %scan3A_175 : i32 to index
        %get3A_436 = arith.constant 208 : index
        %get3A_437 = tpu.vector_load %arg10[%get3A_435, %get3A_436] {strides = array<i32>} : memref<48x256xf32, #tpu.memory_space<vmem>>, vector<1x16xf32>,
        %get3A_438 = vector.shape_cast %get3A_437 : vector<1x16xf32> to vector<16xf32>
        %mul3A_439 = arith.constant 0.699999988 : f32
        %mul3A_440 = vector.broadcast %mul3A_439 : f32 to vector<16xf32>
        %mul3A_441 = arith.mulf %mul3A_440, %get3A_438 : vector<16xf32>
        %get3A_442 = arith.index_cast %scan3A_175 : i32 to index
        %get3A_443 = arith.constant 208 : index
        %get3A_444 = tpu.vector_load %arg13[%get3A_442, %get3A_443] {strides = array<i32>} : memref<48x256xf32, #tpu.memory_space<vmem>>, vector<1x16xf32>,
        %get3A_445 = vector.shape_cast %get3A_444 : vector<1x16xf32> to vector<16xf32>
        %mul3A_446 = arith.constant 3.000000e-01 : f32
        %mul3A_447 = vector.broadcast %mul3A_446 : f32 to vector<16xf32>
        %mul3A_448 = arith.mulf %mul3A_447, %get3A_445 : vector<16xf32>
        %add3A_449 = arith.addf %mul3A_441, %mul3A_448 : vector<16xf32>
        %swap3A_450 = arith.index_cast %scan3A_175 : i32 to index
        %swap3A_451 = arith.constant 208 : index
        %swap3A_452 = tpu.vector_load %arg16[%swap3A_450, %swap3A_451] {strides = array<i32>} : memref<48x256xf32, #tpu.memory_space<vmem>>, vector<1x16xf32>,
        %swap3A_453 = vector.shape_cast %swap3A_452 : vector<1x16xf32> to vector<16xf32>
        %swap3A_454 = vector.shape_cast %add3A_449 : vector<16xf32> to vector<1x16xf32>
        tpu.vector_store %arg16[%swap3A_450, %swap3A_451], %swap3A_454 {strides = array<i32>} : memref<48x256xf32, #tpu.memory_space<vmem>>, vector<1x16xf32>,
        %get3A_455 = arith.index_cast %scan3A_175 : i32 to index
        %get3A_456 = arith.constant 224 : index
        %get3A_457 = tpu.vector_load %arg10[%get3A_455, %get3A_456] {strides = array<i32>} : memref<48x256xf32, #tpu.memory_space<vmem>>, vector<1x16xf32>,
        %get3A_458 = vector.shape_cast %get3A_457 : vector<1x16xf32> to vector<16xf32>
        %mul3A_459 = arith.constant 0.699999988 : f32
        %mul3A_460 = vector.broadcast %mul3A_459 : f32 to vector<16xf32>
        %mul3A_461 = arith.mulf %mul3A_460, %get3A_458 : vector<16xf32>
        %get3A_462 = arith.index_cast %scan3A_175 : i32 to index
        %get3A_463 = arith.constant 224 : index
        %get3A_464 = tpu.vector_load %arg13[%get3A_462, %get3A_463] {strides = array<i32>} : memref<48x256xf32, #tpu.memory_space<vmem>>, vector<1x16xf32>,
        %get3A_465 = vector.shape_cast %get3A_464 : vector<1x16xf32> to vector<16xf32>
        %mul3A_466 = arith.constant 3.000000e-01 : f32
        %mul3A_467 = vector.broadcast %mul3A_466 : f32 to vector<16xf32>
        %mul3A_468 = arith.mulf %mul3A_467, %get3A_465 : vector<16xf32>
        %add3A_469 = arith.addf %mul3A_461, %mul3A_468 : vector<16xf32>
        %swap3A_470 = arith.index_cast %scan3A_175 : i32 to index
        %swap3A_471 = arith.constant 224 : index
        %swap3A_472 = tpu.vector_load %arg16[%swap3A_470, %swap3A_471] {strides = array<i32>} : memref<48x256xf32, #tpu.memory_space<vmem>>, vector<1x16xf32>,
        %swap3A_473 = vector.shape_cast %swap3A_472 : vector<1x16xf32> to vector<16xf32>
        %swap3A_474 = vector.shape_cast %add3A_469 : vector<16xf32> to vector<1x16xf32>
        tpu.vector_store %arg16[%swap3A_470, %swap3A_471], %swap3A_474 {strides = array<i32>} : memref<48x256xf32, #tpu.memory_space<vmem>>, vector<1x16xf32>,
        %get3A_475 = arith.index_cast %scan3A_175 : i32 to index
        %get3A_476 = arith.constant 240 : index
        %get3A_477 = tpu.vector_load %arg10[%get3A_475, %get3A_476] {strides = array<i32>} : memref<48x256xf32, #tpu.memory_space<vmem>>, vector<1x16xf32>,
        %get3A_478 = vector.shape_cast %get3A_477 : vector<1x16xf32> to vector<16xf32>
        %mul3A_479 = arith.constant 0.699999988 : f32
        %mul3A_480 = vector.broadcast %mul3A_479 : f32 to vector<16xf32>
        %mul3A_481 = arith.mulf %mul3A_480, %get3A_478 : vector<16xf32>
        %get3A_482 = arith.index_cast %scan3A_175 : i32 to index
        %get3A_483 = arith.constant 240 : index
        %get3A_484 = tpu.vector_load %arg13[%get3A_482, %get3A_483] {strides = array<i32>} : memref<48x256xf32, #tpu.memory_space<vmem>>, vector<1x16xf32>,
        %get3A_485 = vector.shape_cast %get3A_484 : vector<1x16xf32> to vector<16xf32>
        %mul3A_486 = arith.constant 3.000000e-01 : f32
        %mul3A_487 = vector.broadcast %mul3A_486 : f32 to vector<16xf32>
        %mul3A_488 = arith.mulf %mul3A_487, %get3A_485 : vector<16xf32>
        %add3A_489 = arith.addf %mul3A_481, %mul3A_488 : vector<16xf32>
        %swap3A_490 = arith.index_cast %scan3A_175 : i32 to index
        %swap3A_491 = arith.constant 240 : index
        %swap3A_492 = tpu.vector_load %arg16[%swap3A_490, %swap3A_491] {strides = array<i32>} : memref<48x256xf32, #tpu.memory_space<vmem>>, vector<1x16xf32>,
        %swap3A_493 = vector.shape_cast %swap3A_492 : vector<1x16xf32> to vector<16xf32>
        %swap3A_494 = vector.shape_cast %add3A_489 : vector<16xf32> to vector<1x16xf32>
        tpu.vector_store %arg16[%swap3A_490, %swap3A_491], %swap3A_494 {strides = array<i32>} : memref<48x256xf32, #tpu.memory_space<vmem>>, vector<1x16xf32>,
        %scan3A_495 = arith.constant 0 : i32
        scf.yield %scan3A_495 : i32
      }
      %scan3A_124 = arith.constant 48 : i32
      %mul3A_125 = arith.constant 48 : i32
      %mul3A_126 = arith.muli %add3A_93, %mul3A_125 : i32
      %add3A_127 = arith.addi %min3A_3, %mul3A_126 : i32
      %dma_start3A_128 = arith.constant 0 : i32
      %dma_start3A_129 = tpu.memref_slice %arg5[%add3A_127, %dma_start3A_128] : memref<50000x256xf32, #tpu.memory_space<hbm>> -> memref<48x256xf32, #tpu.memory_space<hbm>>
      %dma_start3A_130 = arith.constant 0 : i32
      %dma_start3A_131 = tpu.memref_slice %arg5[%add3A_127, %dma_start3A_130] : memref<50000x256xf32, #tpu.memory_space<hbm>> -> memref<48x256xf32, #tpu.memory_space<hbm>>
      tpu.enqueue_dma source(%arg16 : memref<48x256xf32, #tpu.memory_space<vmem>>) target(%dma_start3A_131 : memref<48x256xf32, #tpu.memory_space<hbm>>) target_semaphore(%arg25 : memref<!tpu.dma_semaphore, #tpu.memory_space<semaphore_mem>>)
      %mul3A_132 = arith.constant 3 : i32
      %mul3A_133 = arith.muli %mul3A_132, %scan3A_50 : i32
      %add3A_134 = arith.constant 2 : i32
      %add3A_135 = arith.addi %mul3A_133, %add3A_134 : i32
      %dma_wait3A_136 = arith.constant 0 : i32
      %dma_wait3A_137 = arith.constant 0 : i32
      %dma_wait3A_138 = tpu.memref_slice %arg2[%dma_wait3A_136, %dma_wait3A_137] : memref<50000x256xf32, #tpu.memory_space<hbm>> -> memref<48x256xf32, #tpu.memory_space<hbm>>
      %dma_wait3A_139 = arith.constant 0 : i32
      %dma_wait3A_140 = arith.constant 0 : i32
      %dma_wait3A_141 = tpu.memref_slice %arg2[%dma_wait3A_139, %dma_wait3A_140] : memref<50000x256xf32, #tpu.memory_space<hbm>> -> memref<48x256xf32, #tpu.memory_space<hbm>>
      tpu.wait_dma2 semaphore(%arg20 : memref<!tpu.dma_semaphore, #tpu.memory_space<semaphore_mem>>) src(%dma_wait3A_141 : memref<48x256xf32, #tpu.memory_space<hbm>>) dst(%arg11 : memref<48x256xf32, #tpu.memory_space<vmem>>)
      %dma_wait3A_142 = arith.constant 0 : i32
      %dma_wait3A_143 = arith.constant 0 : i32
      %dma_wait3A_144 = tpu.memref_slice %arg2[%dma_wait3A_142, %dma_wait3A_143] : memref<50000x256xf32, #tpu.memory_space<hbm>> -> memref<48x256xf32, #tpu.memory_space<hbm>>
      %dma_wait3A_145 = arith.constant 0 : i32
      %dma_wait3A_146 = arith.constant 0 : i32
      %dma_wait3A_147 = tpu.memref_slice %arg2[%dma_wait3A_145, %dma_wait3A_146] : memref<50000x256xf32, #tpu.memory_space<hbm>> -> memref<48x256xf32, #tpu.memory_space<hbm>>
      tpu.wait_dma2 semaphore(%arg23 : memref<!tpu.dma_semaphore, #tpu.memory_space<semaphore_mem>>) src(%dma_wait3A_147 : memref<48x256xf32, #tpu.memory_space<hbm>>) dst(%arg14 : memref<48x256xf32, #tpu.memory_space<vmem>>)
      %add3A_148 = arith.constant 2 : i32
      %add3A_149 = arith.addi %add3A_135, %add3A_148 : i32
      %lt3A_150 = arith.constant 33 : i32
      %lt3A_151 = arith.cmpi slt, %add3A_149, %lt3A_150 : i32
      %convert_element_type3A_152 = arith.extui %lt3A_151 : i1 to i32
      %cond3A_153 = arith.constant 0 : i32
      %cond3A_154 = arith.cmpi ne, %convert_element_type3A_152, %cond3A_153 : i32
      scf.if %cond3A_154 {
        %add3A_175 = arith.constant 2 : i32
        %add3A_176 = arith.addi %add3A_135, %add3A_175 : i32
        %mul3A_177 = arith.constant 48 : i32
        %mul3A_178 = arith.muli %add3A_176, %mul3A_177 : i32
        %add3A_179 = arith.addi %min3A_3, %mul3A_178 : i32
        %dma_start3A_180 = arith.constant 0 : i32
        %dma_start3A_181 = tpu.memref_slice %arg2[%add3A_179, %dma_start3A_180] : memref<50000x256xf32, #tpu.memory_space<hbm>> -> memref<48x256xf32, #tpu.memory_space<hbm>>
        %dma_start3A_182 = arith.constant 0 : i32
        %dma_start3A_183 = tpu.memref_slice %arg2[%add3A_179, %dma_start3A_182] : memref<50000x256xf32, #tpu.memory_space<hbm>> -> memref<48x256xf32, #tpu.memory_space<hbm>>
        tpu.enqueue_dma source(%dma_start3A_183 : memref<48x256xf32, #tpu.memory_space<hbm>>) target(%arg10 : memref<48x256xf32, #tpu.memory_space<vmem>>) target_semaphore(%arg19 : memref<!tpu.dma_semaphore, #tpu.memory_space<semaphore_mem>>)
        %mul3A_184 = arith.constant 48 : i32
        %mul3A_185 = arith.muli %add3A_176, %mul3A_184 : i32
        %dma_start3A_186 = tpu.memref_slice %arg7[%mul3A_185] : memref<1584xi32, #tpu.memory_space<vmem>> -> memref<48xi32, #tpu.memory_space<vmem>>
        %dma_start3A_187 = arith.constant 0 : i32
        %dma_start3A_188 = arith.constant 0 : i32
        %dma_start3A_189 = tpu.memref_slice %arg2[%dma_start3A_187, %dma_start3A_188] : memref<50000x256xf32, #tpu.memory_space<hbm>> -> memref<50000x256xf32, #tpu.memory_space<hbm>>
        tpu.enqueue_indirect_dma source(%dma_start3A_189 : memref<50000x256xf32, #tpu.memory_space<hbm>>) target(%arg13 : memref<48x256xf32, #tpu.memory_space<vmem>>) offsets(%dma_start3A_186 : memref<48xi32, #tpu.memory_space<vmem>>) semaphore(%arg22 : memref<!tpu.dma_semaphore, #tpu.memory_space<semaphore_mem>>)
      } else {
      }
      %ge3A_155 = arith.constant 3 : i32
      %ge3A_156 = arith.cmpi sge, %add3A_135, %ge3A_155 : i32
      %convert_element_type3A_157 = arith.extui %ge3A_156 : i1 to i32
      %cond3A_158 = arith.constant 0 : i32
      %cond3A_159 = arith.cmpi ne, %convert_element_type3A_157, %cond3A_158 : i32
      scf.if %cond3A_159 {
        %dma_wait3A_175 = arith.constant 0 : i32
        %dma_wait3A_176 = tpu.memref_slice %arg5[%min3A_3, %dma_wait3A_175] : memref<50000x256xf32, #tpu.memory_space<hbm>> -> memref<48x256xf32, #tpu.memory_space<hbm>>
        %dma_wait3A_177 = arith.constant 0 : i32
        %dma_wait3A_178 = tpu.memref_slice %arg5[%min3A_3, %dma_wait3A_177] : memref<50000x256xf32, #tpu.memory_space<hbm>> -> memref<48x256xf32, #tpu.memory_space<hbm>>
        tpu.wait_dma2 semaphore(%arg26 : memref<!tpu.dma_semaphore, #tpu.memory_space<semaphore_mem>>) src(%arg17 : memref<48x256xf32, #tpu.memory_space<vmem>>) dst(%dma_wait3A_178 : memref<48x256xf32, #tpu.memory_space<hbm>>)
      } else {
      }
      %scan3A_160 = arith.constant 0 : i32
      %scan3A_161 = arith.constant 0 : i32
      %scan3A_162 = arith.constant 48 : i32
      %scan3A_163 = arith.addi %scan3A_161, %scan3A_162 : i32
      %scan3A_164 = arith.constant 1 : i32
      %scan3A_165 = scf.for %scan3A_175 = %scan3A_161 to %scan3A_163 step %scan3A_164 iter_args(%scan3A_176 = %scan3A_160) -> (i32)  : i32 {
        %get3A = arith.index_cast %scan3A_175 : i32 to index
        %get3A_177 = arith.constant 0 : index
        %get3A_178 = tpu.vector_load %arg11[%get3A, %get3A_177] {strides = array<i32>} : memref<48x256xf32, #tpu.memory_space<vmem>>, vector<1x16xf32>,
        %get3A_179 = vector.shape_cast %get3A_178 : vector<1x16xf32> to vector<16xf32>
        %mul3A_180 = arith.constant 0.699999988 : f32
        %mul3A_181 = vector.broadcast %mul3A_180 : f32 to vector<16xf32>
        %mul3A_182 = arith.mulf %mul3A_181, %get3A_179 : vector<16xf32>
        %get3A_183 = arith.index_cast %scan3A_175 : i32 to index
        %get3A_184 = arith.constant 0 : index
        %get3A_185 = tpu.vector_load %arg14[%get3A_183, %get3A_184] {strides = array<i32>} : memref<48x256xf32, #tpu.memory_space<vmem>>, vector<1x16xf32>,
        %get3A_186 = vector.shape_cast %get3A_185 : vector<1x16xf32> to vector<16xf32>
        %mul3A_187 = arith.constant 3.000000e-01 : f32
        %mul3A_188 = vector.broadcast %mul3A_187 : f32 to vector<16xf32>
        %mul3A_189 = arith.mulf %mul3A_188, %get3A_186 : vector<16xf32>
        %add3A_190 = arith.addf %mul3A_182, %mul3A_189 : vector<16xf32>
        %swap3A = arith.index_cast %scan3A_175 : i32 to index
        %swap3A_191 = arith.constant 0 : index
        %swap3A_192 = tpu.vector_load %arg17[%swap3A, %swap3A_191] {strides = array<i32>} : memref<48x256xf32, #tpu.memory_space<vmem>>, vector<1x16xf32>,
        %swap3A_193 = vector.shape_cast %swap3A_192 : vector<1x16xf32> to vector<16xf32>
        %swap3A_194 = vector.shape_cast %add3A_190 : vector<16xf32> to vector<1x16xf32>
        tpu.vector_store %arg17[%swap3A, %swap3A_191], %swap3A_194 {strides = array<i32>} : memref<48x256xf32, #tpu.memory_space<vmem>>, vector<1x16xf32>,
        %get3A_195 = arith.index_cast %scan3A_175 : i32 to index
        %get3A_196 = arith.constant 16 : index
        %get3A_197 = tpu.vector_load %arg11[%get3A_195, %get3A_196] {strides = array<i32>} : memref<48x256xf32, #tpu.memory_space<vmem>>, vector<1x16xf32>,
        %get3A_198 = vector.shape_cast %get3A_197 : vector<1x16xf32> to vector<16xf32>
        %mul3A_199 = arith.constant 0.699999988 : f32
        %mul3A_200 = vector.broadcast %mul3A_199 : f32 to vector<16xf32>
        %mul3A_201 = arith.mulf %mul3A_200, %get3A_198 : vector<16xf32>
        %get3A_202 = arith.index_cast %scan3A_175 : i32 to index
        %get3A_203 = arith.constant 16 : index
        %get3A_204 = tpu.vector_load %arg14[%get3A_202, %get3A_203] {strides = array<i32>} : memref<48x256xf32, #tpu.memory_space<vmem>>, vector<1x16xf32>,
        %get3A_205 = vector.shape_cast %get3A_204 : vector<1x16xf32> to vector<16xf32>
        %mul3A_206 = arith.constant 3.000000e-01 : f32
        %mul3A_207 = vector.broadcast %mul3A_206 : f32 to vector<16xf32>
        %mul3A_208 = arith.mulf %mul3A_207, %get3A_205 : vector<16xf32>
        %add3A_209 = arith.addf %mul3A_201, %mul3A_208 : vector<16xf32>
        %swap3A_210 = arith.index_cast %scan3A_175 : i32 to index
        %swap3A_211 = arith.constant 16 : index
        %swap3A_212 = tpu.vector_load %arg17[%swap3A_210, %swap3A_211] {strides = array<i32>} : memref<48x256xf32, #tpu.memory_space<vmem>>, vector<1x16xf32>,
        %swap3A_213 = vector.shape_cast %swap3A_212 : vector<1x16xf32> to vector<16xf32>
        %swap3A_214 = vector.shape_cast %add3A_209 : vector<16xf32> to vector<1x16xf32>
        tpu.vector_store %arg17[%swap3A_210, %swap3A_211], %swap3A_214 {strides = array<i32>} : memref<48x256xf32, #tpu.memory_space<vmem>>, vector<1x16xf32>,
        %get3A_215 = arith.index_cast %scan3A_175 : i32 to index
        %get3A_216 = arith.constant 32 : index
        %get3A_217 = tpu.vector_load %arg11[%get3A_215, %get3A_216] {strides = array<i32>} : memref<48x256xf32, #tpu.memory_space<vmem>>, vector<1x16xf32>,
        %get3A_218 = vector.shape_cast %get3A_217 : vector<1x16xf32> to vector<16xf32>
        %mul3A_219 = arith.constant 0.699999988 : f32
        %mul3A_220 = vector.broadcast %mul3A_219 : f32 to vector<16xf32>
        %mul3A_221 = arith.mulf %mul3A_220, %get3A_218 : vector<16xf32>
        %get3A_222 = arith.index_cast %scan3A_175 : i32 to index
        %get3A_223 = arith.constant 32 : index
        %get3A_224 = tpu.vector_load %arg14[%get3A_222, %get3A_223] {strides = array<i32>} : memref<48x256xf32, #tpu.memory_space<vmem>>, vector<1x16xf32>,
        %get3A_225 = vector.shape_cast %get3A_224 : vector<1x16xf32> to vector<16xf32>
        %mul3A_226 = arith.constant 3.000000e-01 : f32
        %mul3A_227 = vector.broadcast %mul3A_226 : f32 to vector<16xf32>
        %mul3A_228 = arith.mulf %mul3A_227, %get3A_225 : vector<16xf32>
        %add3A_229 = arith.addf %mul3A_221, %mul3A_228 : vector<16xf32>
        %swap3A_230 = arith.index_cast %scan3A_175 : i32 to index
        %swap3A_231 = arith.constant 32 : index
        %swap3A_232 = tpu.vector_load %arg17[%swap3A_230, %swap3A_231] {strides = array<i32>} : memref<48x256xf32, #tpu.memory_space<vmem>>, vector<1x16xf32>,
        %swap3A_233 = vector.shape_cast %swap3A_232 : vector<1x16xf32> to vector<16xf32>
        %swap3A_234 = vector.shape_cast %add3A_229 : vector<16xf32> to vector<1x16xf32>
        tpu.vector_store %arg17[%swap3A_230, %swap3A_231], %swap3A_234 {strides = array<i32>} : memref<48x256xf32, #tpu.memory_space<vmem>>, vector<1x16xf32>,
        %get3A_235 = arith.index_cast %scan3A_175 : i32 to index
        %get3A_236 = arith.constant 48 : index
        %get3A_237 = tpu.vector_load %arg11[%get3A_235, %get3A_236] {strides = array<i32>} : memref<48x256xf32, #tpu.memory_space<vmem>>, vector<1x16xf32>,
        %get3A_238 = vector.shape_cast %get3A_237 : vector<1x16xf32> to vector<16xf32>
        %mul3A_239 = arith.constant 0.699999988 : f32
        %mul3A_240 = vector.broadcast %mul3A_239 : f32 to vector<16xf32>
        %mul3A_241 = arith.mulf %mul3A_240, %get3A_238 : vector<16xf32>
        %get3A_242 = arith.index_cast %scan3A_175 : i32 to index
        %get3A_243 = arith.constant 48 : index
        %get3A_244 = tpu.vector_load %arg14[%get3A_242, %get3A_243] {strides = array<i32>} : memref<48x256xf32, #tpu.memory_space<vmem>>, vector<1x16xf32>,
        %get3A_245 = vector.shape_cast %get3A_244 : vector<1x16xf32> to vector<16xf32>
        %mul3A_246 = arith.constant 3.000000e-01 : f32
        %mul3A_247 = vector.broadcast %mul3A_246 : f32 to vector<16xf32>
        %mul3A_248 = arith.mulf %mul3A_247, %get3A_245 : vector<16xf32>
        %add3A_249 = arith.addf %mul3A_241, %mul3A_248 : vector<16xf32>
        %swap3A_250 = arith.index_cast %scan3A_175 : i32 to index
        %swap3A_251 = arith.constant 48 : index
        %swap3A_252 = tpu.vector_load %arg17[%swap3A_250, %swap3A_251] {strides = array<i32>} : memref<48x256xf32, #tpu.memory_space<vmem>>, vector<1x16xf32>,
        %swap3A_253 = vector.shape_cast %swap3A_252 : vector<1x16xf32> to vector<16xf32>
        %swap3A_254 = vector.shape_cast %add3A_249 : vector<16xf32> to vector<1x16xf32>
        tpu.vector_store %arg17[%swap3A_250, %swap3A_251], %swap3A_254 {strides = array<i32>} : memref<48x256xf32, #tpu.memory_space<vmem>>, vector<1x16xf32>,
        %get3A_255 = arith.index_cast %scan3A_175 : i32 to index
        %get3A_256 = arith.constant 64 : index
        %get3A_257 = tpu.vector_load %arg11[%get3A_255, %get3A_256] {strides = array<i32>} : memref<48x256xf32, #tpu.memory_space<vmem>>, vector<1x16xf32>,
        %get3A_258 = vector.shape_cast %get3A_257 : vector<1x16xf32> to vector<16xf32>
        %mul3A_259 = arith.constant 0.699999988 : f32
        %mul3A_260 = vector.broadcast %mul3A_259 : f32 to vector<16xf32>
        %mul3A_261 = arith.mulf %mul3A_260, %get3A_258 : vector<16xf32>
        %get3A_262 = arith.index_cast %scan3A_175 : i32 to index
        %get3A_263 = arith.constant 64 : index
        %get3A_264 = tpu.vector_load %arg14[%get3A_262, %get3A_263] {strides = array<i32>} : memref<48x256xf32, #tpu.memory_space<vmem>>, vector<1x16xf32>,
        %get3A_265 = vector.shape_cast %get3A_264 : vector<1x16xf32> to vector<16xf32>
        %mul3A_266 = arith.constant 3.000000e-01 : f32
        %mul3A_267 = vector.broadcast %mul3A_266 : f32 to vector<16xf32>
        %mul3A_268 = arith.mulf %mul3A_267, %get3A_265 : vector<16xf32>
        %add3A_269 = arith.addf %mul3A_261, %mul3A_268 : vector<16xf32>
        %swap3A_270 = arith.index_cast %scan3A_175 : i32 to index
        %swap3A_271 = arith.constant 64 : index
        %swap3A_272 = tpu.vector_load %arg17[%swap3A_270, %swap3A_271] {strides = array<i32>} : memref<48x256xf32, #tpu.memory_space<vmem>>, vector<1x16xf32>,
        %swap3A_273 = vector.shape_cast %swap3A_272 : vector<1x16xf32> to vector<16xf32>
        %swap3A_274 = vector.shape_cast %add3A_269 : vector<16xf32> to vector<1x16xf32>
        tpu.vector_store %arg17[%swap3A_270, %swap3A_271], %swap3A_274 {strides = array<i32>} : memref<48x256xf32, #tpu.memory_space<vmem>>, vector<1x16xf32>,
        %get3A_275 = arith.index_cast %scan3A_175 : i32 to index
        %get3A_276 = arith.constant 80 : index
        %get3A_277 = tpu.vector_load %arg11[%get3A_275, %get3A_276] {strides = array<i32>} : memref<48x256xf32, #tpu.memory_space<vmem>>, vector<1x16xf32>,
        %get3A_278 = vector.shape_cast %get3A_277 : vector<1x16xf32> to vector<16xf32>
        %mul3A_279 = arith.constant 0.699999988 : f32
        %mul3A_280 = vector.broadcast %mul3A_279 : f32 to vector<16xf32>
        %mul3A_281 = arith.mulf %mul3A_280, %get3A_278 : vector<16xf32>
        %get3A_282 = arith.index_cast %scan3A_175 : i32 to index
        %get3A_283 = arith.constant 80 : index
        %get3A_284 = tpu.vector_load %arg14[%get3A_282, %get3A_283] {strides = array<i32>} : memref<48x256xf32, #tpu.memory_space<vmem>>, vector<1x16xf32>,
        %get3A_285 = vector.shape_cast %get3A_284 : vector<1x16xf32> to vector<16xf32>
        %mul3A_286 = arith.constant 3.000000e-01 : f32
        %mul3A_287 = vector.broadcast %mul3A_286 : f32 to vector<16xf32>
        %mul3A_288 = arith.mulf %mul3A_287, %get3A_285 : vector<16xf32>
        %add3A_289 = arith.addf %mul3A_281, %mul3A_288 : vector<16xf32>
        %swap3A_290 = arith.index_cast %scan3A_175 : i32 to index
        %swap3A_291 = arith.constant 80 : index
        %swap3A_292 = tpu.vector_load %arg17[%swap3A_290, %swap3A_291] {strides = array<i32>} : memref<48x256xf32, #tpu.memory_space<vmem>>, vector<1x16xf32>,
        %swap3A_293 = vector.shape_cast %swap3A_292 : vector<1x16xf32> to vector<16xf32>
        %swap3A_294 = vector.shape_cast %add3A_289 : vector<16xf32> to vector<1x16xf32>
        tpu.vector_store %arg17[%swap3A_290, %swap3A_291], %swap3A_294 {strides = array<i32>} : memref<48x256xf32, #tpu.memory_space<vmem>>, vector<1x16xf32>,
        %get3A_295 = arith.index_cast %scan3A_175 : i32 to index
        %get3A_296 = arith.constant 96 : index
        %get3A_297 = tpu.vector_load %arg11[%get3A_295, %get3A_296] {strides = array<i32>} : memref<48x256xf32, #tpu.memory_space<vmem>>, vector<1x16xf32>,
        %get3A_298 = vector.shape_cast %get3A_297 : vector<1x16xf32> to vector<16xf32>
        %mul3A_299 = arith.constant 0.699999988 : f32
        %mul3A_300 = vector.broadcast %mul3A_299 : f32 to vector<16xf32>
        %mul3A_301 = arith.mulf %mul3A_300, %get3A_298 : vector<16xf32>
        %get3A_302 = arith.index_cast %scan3A_175 : i32 to index
        %get3A_303 = arith.constant 96 : index
        %get3A_304 = tpu.vector_load %arg14[%get3A_302, %get3A_303] {strides = array<i32>} : memref<48x256xf32, #tpu.memory_space<vmem>>, vector<1x16xf32>,
        %get3A_305 = vector.shape_cast %get3A_304 : vector<1x16xf32> to vector<16xf32>
        %mul3A_306 = arith.constant 3.000000e-01 : f32
        %mul3A_307 = vector.broadcast %mul3A_306 : f32 to vector<16xf32>
        %mul3A_308 = arith.mulf %mul3A_307, %get3A_305 : vector<16xf32>
        %add3A_309 = arith.addf %mul3A_301, %mul3A_308 : vector<16xf32>
        %swap3A_310 = arith.index_cast %scan3A_175 : i32 to index
        %swap3A_311 = arith.constant 96 : index
        %swap3A_312 = tpu.vector_load %arg17[%swap3A_310, %swap3A_311] {strides = array<i32>} : memref<48x256xf32, #tpu.memory_space<vmem>>, vector<1x16xf32>,
        %swap3A_313 = vector.shape_cast %swap3A_312 : vector<1x16xf32> to vector<16xf32>
        %swap3A_314 = vector.shape_cast %add3A_309 : vector<16xf32> to vector<1x16xf32>
        tpu.vector_store %arg17[%swap3A_310, %swap3A_311], %swap3A_314 {strides = array<i32>} : memref<48x256xf32, #tpu.memory_space<vmem>>, vector<1x16xf32>,
        %get3A_315 = arith.index_cast %scan3A_175 : i32 to index
        %get3A_316 = arith.constant 112 : index
        %get3A_317 = tpu.vector_load %arg11[%get3A_315, %get3A_316] {strides = array<i32>} : memref<48x256xf32, #tpu.memory_space<vmem>>, vector<1x16xf32>,
        %get3A_318 = vector.shape_cast %get3A_317 : vector<1x16xf32> to vector<16xf32>
        %mul3A_319 = arith.constant 0.699999988 : f32
        %mul3A_320 = vector.broadcast %mul3A_319 : f32 to vector<16xf32>
        %mul3A_321 = arith.mulf %mul3A_320, %get3A_318 : vector<16xf32>
        %get3A_322 = arith.index_cast %scan3A_175 : i32 to index
        %get3A_323 = arith.constant 112 : index
        %get3A_324 = tpu.vector_load %arg14[%get3A_322, %get3A_323] {strides = array<i32>} : memref<48x256xf32, #tpu.memory_space<vmem>>, vector<1x16xf32>,
        %get3A_325 = vector.shape_cast %get3A_324 : vector<1x16xf32> to vector<16xf32>
        %mul3A_326 = arith.constant 3.000000e-01 : f32
        %mul3A_327 = vector.broadcast %mul3A_326 : f32 to vector<16xf32>
        %mul3A_328 = arith.mulf %mul3A_327, %get3A_325 : vector<16xf32>
        %add3A_329 = arith.addf %mul3A_321, %mul3A_328 : vector<16xf32>
        %swap3A_330 = arith.index_cast %scan3A_175 : i32 to index
        %swap3A_331 = arith.constant 112 : index
        %swap3A_332 = tpu.vector_load %arg17[%swap3A_330, %swap3A_331] {strides = array<i32>} : memref<48x256xf32, #tpu.memory_space<vmem>>, vector<1x16xf32>,
        %swap3A_333 = vector.shape_cast %swap3A_332 : vector<1x16xf32> to vector<16xf32>
        %swap3A_334 = vector.shape_cast %add3A_329 : vector<16xf32> to vector<1x16xf32>
        tpu.vector_store %arg17[%swap3A_330, %swap3A_331], %swap3A_334 {strides = array<i32>} : memref<48x256xf32, #tpu.memory_space<vmem>>, vector<1x16xf32>,
        %get3A_335 = arith.index_cast %scan3A_175 : i32 to index
        %get3A_336 = arith.constant 128 : index
        %get3A_337 = tpu.vector_load %arg11[%get3A_335, %get3A_336] {strides = array<i32>} : memref<48x256xf32, #tpu.memory_space<vmem>>, vector<1x16xf32>,
        %get3A_338 = vector.shape_cast %get3A_337 : vector<1x16xf32> to vector<16xf32>
        %mul3A_339 = arith.constant 0.699999988 : f32
        %mul3A_340 = vector.broadcast %mul3A_339 : f32 to vector<16xf32>
        %mul3A_341 = arith.mulf %mul3A_340, %get3A_338 : vector<16xf32>
        %get3A_342 = arith.index_cast %scan3A_175 : i32 to index
        %get3A_343 = arith.constant 128 : index
        %get3A_344 = tpu.vector_load %arg14[%get3A_342, %get3A_343] {strides = array<i32>} : memref<48x256xf32, #tpu.memory_space<vmem>>, vector<1x16xf32>,
        %get3A_345 = vector.shape_cast %get3A_344 : vector<1x16xf32> to vector<16xf32>
        %mul3A_346 = arith.constant 3.000000e-01 : f32
        %mul3A_347 = vector.broadcast %mul3A_346 : f32 to vector<16xf32>
        %mul3A_348 = arith.mulf %mul3A_347, %get3A_345 : vector<16xf32>
        %add3A_349 = arith.addf %mul3A_341, %mul3A_348 : vector<16xf32>
        %swap3A_350 = arith.index_cast %scan3A_175 : i32 to index
        %swap3A_351 = arith.constant 128 : index
        %swap3A_352 = tpu.vector_load %arg17[%swap3A_350, %swap3A_351] {strides = array<i32>} : memref<48x256xf32, #tpu.memory_space<vmem>>, vector<1x16xf32>,
        %swap3A_353 = vector.shape_cast %swap3A_352 : vector<1x16xf32> to vector<16xf32>
        %swap3A_354 = vector.shape_cast %add3A_349 : vector<16xf32> to vector<1x16xf32>
        tpu.vector_store %arg17[%swap3A_350, %swap3A_351], %swap3A_354 {strides = array<i32>} : memref<48x256xf32, #tpu.memory_space<vmem>>, vector<1x16xf32>,
        %get3A_355 = arith.index_cast %scan3A_175 : i32 to index
        %get3A_356 = arith.constant 144 : index
        %get3A_357 = tpu.vector_load %arg11[%get3A_355, %get3A_356] {strides = array<i32>} : memref<48x256xf32, #tpu.memory_space<vmem>>, vector<1x16xf32>,
        %get3A_358 = vector.shape_cast %get3A_357 : vector<1x16xf32> to vector<16xf32>
        %mul3A_359 = arith.constant 0.699999988 : f32
        %mul3A_360 = vector.broadcast %mul3A_359 : f32 to vector<16xf32>
        %mul3A_361 = arith.mulf %mul3A_360, %get3A_358 : vector<16xf32>
        %get3A_362 = arith.index_cast %scan3A_175 : i32 to index
        %get3A_363 = arith.constant 144 : index
        %get3A_364 = tpu.vector_load %arg14[%get3A_362, %get3A_363] {strides = array<i32>} : memref<48x256xf32, #tpu.memory_space<vmem>>, vector<1x16xf32>,
        %get3A_365 = vector.shape_cast %get3A_364 : vector<1x16xf32> to vector<16xf32>
        %mul3A_366 = arith.constant 3.000000e-01 : f32
        %mul3A_367 = vector.broadcast %mul3A_366 : f32 to vector<16xf32>
        %mul3A_368 = arith.mulf %mul3A_367, %get3A_365 : vector<16xf32>
        %add3A_369 = arith.addf %mul3A_361, %mul3A_368 : vector<16xf32>
        %swap3A_370 = arith.index_cast %scan3A_175 : i32 to index
        %swap3A_371 = arith.constant 144 : index
        %swap3A_372 = tpu.vector_load %arg17[%swap3A_370, %swap3A_371] {strides = array<i32>} : memref<48x256xf32, #tpu.memory_space<vmem>>, vector<1x16xf32>,
        %swap3A_373 = vector.shape_cast %swap3A_372 : vector<1x16xf32> to vector<16xf32>
        %swap3A_374 = vector.shape_cast %add3A_369 : vector<16xf32> to vector<1x16xf32>
        tpu.vector_store %arg17[%swap3A_370, %swap3A_371], %swap3A_374 {strides = array<i32>} : memref<48x256xf32, #tpu.memory_space<vmem>>, vector<1x16xf32>,
        %get3A_375 = arith.index_cast %scan3A_175 : i32 to index
        %get3A_376 = arith.constant 160 : index
        %get3A_377 = tpu.vector_load %arg11[%get3A_375, %get3A_376] {strides = array<i32>} : memref<48x256xf32, #tpu.memory_space<vmem>>, vector<1x16xf32>,
        %get3A_378 = vector.shape_cast %get3A_377 : vector<1x16xf32> to vector<16xf32>
        %mul3A_379 = arith.constant 0.699999988 : f32
        %mul3A_380 = vector.broadcast %mul3A_379 : f32 to vector<16xf32>
        %mul3A_381 = arith.mulf %mul3A_380, %get3A_378 : vector<16xf32>
        %get3A_382 = arith.index_cast %scan3A_175 : i32 to index
        %get3A_383 = arith.constant 160 : index
        %get3A_384 = tpu.vector_load %arg14[%get3A_382, %get3A_383] {strides = array<i32>} : memref<48x256xf32, #tpu.memory_space<vmem>>, vector<1x16xf32>,
        %get3A_385 = vector.shape_cast %get3A_384 : vector<1x16xf32> to vector<16xf32>
        %mul3A_386 = arith.constant 3.000000e-01 : f32
        %mul3A_387 = vector.broadcast %mul3A_386 : f32 to vector<16xf32>
        %mul3A_388 = arith.mulf %mul3A_387, %get3A_385 : vector<16xf32>
        %add3A_389 = arith.addf %mul3A_381, %mul3A_388 : vector<16xf32>
        %swap3A_390 = arith.index_cast %scan3A_175 : i32 to index
        %swap3A_391 = arith.constant 160 : index
        %swap3A_392 = tpu.vector_load %arg17[%swap3A_390, %swap3A_391] {strides = array<i32>} : memref<48x256xf32, #tpu.memory_space<vmem>>, vector<1x16xf32>,
        %swap3A_393 = vector.shape_cast %swap3A_392 : vector<1x16xf32> to vector<16xf32>
        %swap3A_394 = vector.shape_cast %add3A_389 : vector<16xf32> to vector<1x16xf32>
        tpu.vector_store %arg17[%swap3A_390, %swap3A_391], %swap3A_394 {strides = array<i32>} : memref<48x256xf32, #tpu.memory_space<vmem>>, vector<1x16xf32>,
        %get3A_395 = arith.index_cast %scan3A_175 : i32 to index
        %get3A_396 = arith.constant 176 : index
        %get3A_397 = tpu.vector_load %arg11[%get3A_395, %get3A_396] {strides = array<i32>} : memref<48x256xf32, #tpu.memory_space<vmem>>, vector<1x16xf32>,
        %get3A_398 = vector.shape_cast %get3A_397 : vector<1x16xf32> to vector<16xf32>
        %mul3A_399 = arith.constant 0.699999988 : f32
        %mul3A_400 = vector.broadcast %mul3A_399 : f32 to vector<16xf32>
        %mul3A_401 = arith.mulf %mul3A_400, %get3A_398 : vector<16xf32>
        %get3A_402 = arith.index_cast %scan3A_175 : i32 to index
        %get3A_403 = arith.constant 176 : index
        %get3A_404 = tpu.vector_load %arg14[%get3A_402, %get3A_403] {strides = array<i32>} : memref<48x256xf32, #tpu.memory_space<vmem>>, vector<1x16xf32>,
        %get3A_405 = vector.shape_cast %get3A_404 : vector<1x16xf32> to vector<16xf32>
        %mul3A_406 = arith.constant 3.000000e-01 : f32
        %mul3A_407 = vector.broadcast %mul3A_406 : f32 to vector<16xf32>
        %mul3A_408 = arith.mulf %mul3A_407, %get3A_405 : vector<16xf32>
        %add3A_409 = arith.addf %mul3A_401, %mul3A_408 : vector<16xf32>
        %swap3A_410 = arith.index_cast %scan3A_175 : i32 to index
        %swap3A_411 = arith.constant 176 : index
        %swap3A_412 = tpu.vector_load %arg17[%swap3A_410, %swap3A_411] {strides = array<i32>} : memref<48x256xf32, #tpu.memory_space<vmem>>, vector<1x16xf32>,
        %swap3A_413 = vector.shape_cast %swap3A_412 : vector<1x16xf32> to vector<16xf32>
        %swap3A_414 = vector.shape_cast %add3A_409 : vector<16xf32> to vector<1x16xf32>
        tpu.vector_store %arg17[%swap3A_410, %swap3A_411], %swap3A_414 {strides = array<i32>} : memref<48x256xf32, #tpu.memory_space<vmem>>, vector<1x16xf32>,
        %get3A_415 = arith.index_cast %scan3A_175 : i32 to index
        %get3A_416 = arith.constant 192 : index
        %get3A_417 = tpu.vector_load %arg11[%get3A_415, %get3A_416] {strides = array<i32>} : memref<48x256xf32, #tpu.memory_space<vmem>>, vector<1x16xf32>,
        %get3A_418 = vector.shape_cast %get3A_417 : vector<1x16xf32> to vector<16xf32>
        %mul3A_419 = arith.constant 0.699999988 : f32
        %mul3A_420 = vector.broadcast %mul3A_419 : f32 to vector<16xf32>
        %mul3A_421 = arith.mulf %mul3A_420, %get3A_418 : vector<16xf32>
        %get3A_422 = arith.index_cast %scan3A_175 : i32 to index
        %get3A_423 = arith.constant 192 : index
        %get3A_424 = tpu.vector_load %arg14[%get3A_422, %get3A_423] {strides = array<i32>} : memref<48x256xf32, #tpu.memory_space<vmem>>, vector<1x16xf32>,
        %get3A_425 = vector.shape_cast %get3A_424 : vector<1x16xf32> to vector<16xf32>
        %mul3A_426 = arith.constant 3.000000e-01 : f32
        %mul3A_427 = vector.broadcast %mul3A_426 : f32 to vector<16xf32>
        %mul3A_428 = arith.mulf %mul3A_427, %get3A_425 : vector<16xf32>
        %add3A_429 = arith.addf %mul3A_421, %mul3A_428 : vector<16xf32>
        %swap3A_430 = arith.index_cast %scan3A_175 : i32 to index
        %swap3A_431 = arith.constant 192 : index
        %swap3A_432 = tpu.vector_load %arg17[%swap3A_430, %swap3A_431] {strides = array<i32>} : memref<48x256xf32, #tpu.memory_space<vmem>>, vector<1x16xf32>,
        %swap3A_433 = vector.shape_cast %swap3A_432 : vector<1x16xf32> to vector<16xf32>
        %swap3A_434 = vector.shape_cast %add3A_429 : vector<16xf32> to vector<1x16xf32>
        tpu.vector_store %arg17[%swap3A_430, %swap3A_431], %swap3A_434 {strides = array<i32>} : memref<48x256xf32, #tpu.memory_space<vmem>>, vector<1x16xf32>,
        %get3A_435 = arith.index_cast %scan3A_175 : i32 to index
        %get3A_436 = arith.constant 208 : index
        %get3A_437 = tpu.vector_load %arg11[%get3A_435, %get3A_436] {strides = array<i32>} : memref<48x256xf32, #tpu.memory_space<vmem>>, vector<1x16xf32>,
        %get3A_438 = vector.shape_cast %get3A_437 : vector<1x16xf32> to vector<16xf32>
        %mul3A_439 = arith.constant 0.699999988 : f32
        %mul3A_440 = vector.broadcast %mul3A_439 : f32 to vector<16xf32>
        %mul3A_441 = arith.mulf %mul3A_440, %get3A_438 : vector<16xf32>
        %get3A_442 = arith.index_cast %scan3A_175 : i32 to index
        %get3A_443 = arith.constant 208 : index
        %get3A_444 = tpu.vector_load %arg14[%get3A_442, %get3A_443] {strides = array<i32>} : memref<48x256xf32, #tpu.memory_space<vmem>>, vector<1x16xf32>,
        %get3A_445 = vector.shape_cast %get3A_444 : vector<1x16xf32> to vector<16xf32>
        %mul3A_446 = arith.constant 3.000000e-01 : f32
        %mul3A_447 = vector.broadcast %mul3A_446 : f32 to vector<16xf32>
        %mul3A_448 = arith.mulf %mul3A_447, %get3A_445 : vector<16xf32>
        %add3A_449 = arith.addf %mul3A_441, %mul3A_448 : vector<16xf32>
        %swap3A_450 = arith.index_cast %scan3A_175 : i32 to index
        %swap3A_451 = arith.constant 208 : index
        %swap3A_452 = tpu.vector_load %arg17[%swap3A_450, %swap3A_451] {strides = array<i32>} : memref<48x256xf32, #tpu.memory_space<vmem>>, vector<1x16xf32>,
        %swap3A_453 = vector.shape_cast %swap3A_452 : vector<1x16xf32> to vector<16xf32>
        %swap3A_454 = vector.shape_cast %add3A_449 : vector<16xf32> to vector<1x16xf32>
        tpu.vector_store %arg17[%swap3A_450, %swap3A_451], %swap3A_454 {strides = array<i32>} : memref<48x256xf32, #tpu.memory_space<vmem>>, vector<1x16xf32>,
        %get3A_455 = arith.index_cast %scan3A_175 : i32 to index
        %get3A_456 = arith.constant 224 : index
        %get3A_457 = tpu.vector_load %arg11[%get3A_455, %get3A_456] {strides = array<i32>} : memref<48x256xf32, #tpu.memory_space<vmem>>, vector<1x16xf32>,
        %get3A_458 = vector.shape_cast %get3A_457 : vector<1x16xf32> to vector<16xf32>
        %mul3A_459 = arith.constant 0.699999988 : f32
        %mul3A_460 = vector.broadcast %mul3A_459 : f32 to vector<16xf32>
        %mul3A_461 = arith.mulf %mul3A_460, %get3A_458 : vector<16xf32>
        %get3A_462 = arith.index_cast %scan3A_175 : i32 to index
        %get3A_463 = arith.constant 224 : index
        %get3A_464 = tpu.vector_load %arg14[%get3A_462, %get3A_463] {strides = array<i32>} : memref<48x256xf32, #tpu.memory_space<vmem>>, vector<1x16xf32>,
        %get3A_465 = vector.shape_cast %get3A_464 : vector<1x16xf32> to vector<16xf32>
        %mul3A_466 = arith.constant 3.000000e-01 : f32
        %mul3A_467 = vector.broadcast %mul3A_466 : f32 to vector<16xf32>
        %mul3A_468 = arith.mulf %mul3A_467, %get3A_465 : vector<16xf32>
        %add3A_469 = arith.addf %mul3A_461, %mul3A_468 : vector<16xf32>
        %swap3A_470 = arith.index_cast %scan3A_175 : i32 to index
        %swap3A_471 = arith.constant 224 : index
        %swap3A_472 = tpu.vector_load %arg17[%swap3A_470, %swap3A_471] {strides = array<i32>} : memref<48x256xf32, #tpu.memory_space<vmem>>, vector<1x16xf32>,
        %swap3A_473 = vector.shape_cast %swap3A_472 : vector<1x16xf32> to vector<16xf32>
        %swap3A_474 = vector.shape_cast %add3A_469 : vector<16xf32> to vector<1x16xf32>
        tpu.vector_store %arg17[%swap3A_470, %swap3A_471], %swap3A_474 {strides = array<i32>} : memref<48x256xf32, #tpu.memory_space<vmem>>, vector<1x16xf32>,
        %get3A_475 = arith.index_cast %scan3A_175 : i32 to index
        %get3A_476 = arith.constant 240 : index
        %get3A_477 = tpu.vector_load %arg11[%get3A_475, %get3A_476] {strides = array<i32>} : memref<48x256xf32, #tpu.memory_space<vmem>>, vector<1x16xf32>,
        %get3A_478 = vector.shape_cast %get3A_477 : vector<1x16xf32> to vector<16xf32>
        %mul3A_479 = arith.constant 0.699999988 : f32
        %mul3A_480 = vector.broadcast %mul3A_479 : f32 to vector<16xf32>
        %mul3A_481 = arith.mulf %mul3A_480, %get3A_478 : vector<16xf32>
        %get3A_482 = arith.index_cast %scan3A_175 : i32 to index
        %get3A_483 = arith.constant 240 : index
        %get3A_484 = tpu.vector_load %arg14[%get3A_482, %get3A_483] {strides = array<i32>} : memref<48x256xf32, #tpu.memory_space<vmem>>, vector<1x16xf32>,
        %get3A_485 = vector.shape_cast %get3A_484 : vector<1x16xf32> to vector<16xf32>
        %mul3A_486 = arith.constant 3.000000e-01 : f32
        %mul3A_487 = vector.broadcast %mul3A_486 : f32 to vector<16xf32>
        %mul3A_488 = arith.mulf %mul3A_487, %get3A_485 : vector<16xf32>
        %add3A_489 = arith.addf %mul3A_481, %mul3A_488 : vector<16xf32>
        %swap3A_490 = arith.index_cast %scan3A_175 : i32 to index
        %swap3A_491 = arith.constant 240 : index
        %swap3A_492 = tpu.vector_load %arg17[%swap3A_490, %swap3A_491] {strides = array<i32>} : memref<48x256xf32, #tpu.memory_space<vmem>>, vector<1x16xf32>,
        %swap3A_493 = vector.shape_cast %swap3A_492 : vector<1x16xf32> to vector<16xf32>
        %swap3A_494 = vector.shape_cast %add3A_489 : vector<16xf32> to vector<1x16xf32>
        tpu.vector_store %arg17[%swap3A_490, %swap3A_491], %swap3A_494 {strides = array<i32>} : memref<48x256xf32, #tpu.memory_space<vmem>>, vector<1x16xf32>,
        %scan3A_495 = arith.constant 0 : i32
        scf.yield %scan3A_495 : i32
      }
      %scan3A_166 = arith.constant 48 : i32
      %mul3A_167 = arith.constant 48 : i32
      %mul3A_168 = arith.muli %add3A_135, %mul3A_167 : i32
      %add3A_169 = arith.addi %min3A_3, %mul3A_168 : i32
      %dma_start3A_170 = arith.constant 0 : i32
      %dma_start3A_171 = tpu.memref_slice %arg5[%add3A_169, %dma_start3A_170] : memref<50000x256xf32, #tpu.memory_space<hbm>> -> memref<48x256xf32, #tpu.memory_space<hbm>>
      %dma_start3A_172 = arith.constant 0 : i32
      %dma_start3A_173 = tpu.memref_slice %arg5[%add3A_169, %dma_start3A_172] : memref<50000x256xf32, #tpu.memory_space<hbm>> -> memref<48x256xf32, #tpu.memory_space<hbm>>
      tpu.enqueue_dma source(%arg17 : memref<48x256xf32, #tpu.memory_space<vmem>>) target(%dma_start3A_173 : memref<48x256xf32, #tpu.memory_space<hbm>>) target_semaphore(%arg26 : memref<!tpu.dma_semaphore, #tpu.memory_space<semaphore_mem>>)
      %scan3A_174 = arith.constant 0 : i32
      scf.yield %scan3A_174 : i32
    }
    %scan3A_35 = arith.constant 11 : i32
    %dma_wait3A_36 = tpu.memref_slice %arg6[%min3A_3] : memref<50000xi32, #tpu.memory_space<hbm>> -> memref<1584xi32, #tpu.memory_space<hbm>>
    %dma_wait3A_37 = tpu.memref_slice %arg6[%min3A_3] : memref<50000xi32, #tpu.memory_space<hbm>> -> memref<1584xi32, #tpu.memory_space<hbm>>
    tpu.wait_dma2 semaphore(%arg27 : memref<!tpu.dma_semaphore, #tpu.memory_space<semaphore_mem>>) src(%arg8 : memref<1584xi32, #tpu.memory_space<vmem>>) dst(%dma_wait3A_37 : memref<1584xi32, #tpu.memory_space<hbm>>)
    %dma_wait3A_38 = arith.constant 0 : i32
    %dma_wait3A_39 = tpu.memref_slice %arg5[%min3A_3, %dma_wait3A_38] : memref<50000x256xf32, #tpu.memory_space<hbm>> -> memref<48x256xf32, #tpu.memory_space<hbm>>
    %dma_wait3A_40 = arith.constant 0 : i32
    %dma_wait3A_41 = tpu.memref_slice %arg5[%min3A_3, %dma_wait3A_40] : memref<50000x256xf32, #tpu.memory_space<hbm>> -> memref<48x256xf32, #tpu.memory_space<hbm>>
    tpu.wait_dma2 semaphore(%arg24 : memref<!tpu.dma_semaphore, #tpu.memory_space<semaphore_mem>>) src(%arg15 : memref<48x256xf32, #tpu.memory_space<vmem>>) dst(%dma_wait3A_41 : memref<48x256xf32, #tpu.memory_space<hbm>>)
    %dma_wait3A_42 = arith.constant 0 : i32
    %dma_wait3A_43 = tpu.memref_slice %arg5[%min3A_3, %dma_wait3A_42] : memref<50000x256xf32, #tpu.memory_space<hbm>> -> memref<48x256xf32, #tpu.memory_space<hbm>>
    %dma_wait3A_44 = arith.constant 0 : i32
    %dma_wait3A_45 = tpu.memref_slice %arg5[%min3A_3, %dma_wait3A_44] : memref<50000x256xf32, #tpu.memory_space<hbm>> -> memref<48x256xf32, #tpu.memory_space<hbm>>
    tpu.wait_dma2 semaphore(%arg25 : memref<!tpu.dma_semaphore, #tpu.memory_space<semaphore_mem>>) src(%arg16 : memref<48x256xf32, #tpu.memory_space<vmem>>) dst(%dma_wait3A_45 : memref<48x256xf32, #tpu.memory_space<hbm>>)
    %dma_wait3A_46 = arith.constant 0 : i32
    %dma_wait3A_47 = tpu.memref_slice %arg5[%min3A_3, %dma_wait3A_46] : memref<50000x256xf32, #tpu.memory_space<hbm>> -> memref<48x256xf32, #tpu.memory_space<hbm>>
    %dma_wait3A_48 = arith.constant 0 : i32
    %dma_wait3A_49 = tpu.memref_slice %arg5[%min3A_3, %dma_wait3A_48] : memref<50000x256xf32, #tpu.memory_space<hbm>> -> memref<48x256xf32, #tpu.memory_space<hbm>>
    tpu.wait_dma2 semaphore(%arg26 : memref<!tpu.dma_semaphore, #tpu.memory_space<semaphore_mem>>) src(%arg17 : memref<48x256xf32, #tpu.memory_space<vmem>>) dst(%dma_wait3A_49 : memref<48x256xf32, #tpu.memory_space<hbm>>)
    return
  }
}

</mosaic_0001>

<sc_bundles>
// kernel: kernel.3.cloned.1.call-start
scs
__scs_entry_jumppad:
0x0: {  	(pc) =	sbr.rel $0x88, $3  }
0x1: {  	(tag) =	ssettag $0x0;
	lr =	simm.s32 $0x1  }
0x2: {  	[smem:$0x3F9E] =	sst lr;
	_ =	strace $0xD0000000  }
0x3: {  	_ = 	snop  }
0x4: {  	_ = 	snop  }
0x5: {  	_ = 	snop  }
0x6: {  	_ = 	snop  }
0x7: {  	_ = 	snop  }
__scs_overlays_trampoline_lowered:
0x8: {  	[smem:$0x3FAD] =	sst s0  }
0x9: {  	[smem:$0x3FAE] =	sst s1  }
0xa: {  	[smem:$0x3FAF] =	sst s2  }
0xb: {  	[smem:$0x3FB0] =	sst s3  }
0xc: {  	[smem:$0x3FB1] =	sst s4  }
0xd: {  	[smem:$0x3FB2] =	sst s5  }
0xe: {  	[smem:$0x3FB3] =	sst s6  }
0xf: {  	[smem:$0x3FB4] =	sst s7  }
0x10: {  	[smem:$0x3FB5] =	sst s8  }
0x11: {  	[smem:$0x3FB6] =	sst s9;
	s0 =	simm.s32 @!p0 $0x0  }
0x12: {  	s1 =	sld [smem:$0x3F9C];
	s0 =	simm.s32 @p0 $0x1  }
0x13: {  	[smem:$0x3FB7] =	sst s0;
	s0 =	simm.s32 @!p1 $0x0  }
0x14: {  	s2 =	sld [smem:$0x3F9B];
	s0 =	simm.s32 @p1 $0x1  }
0x15: {  	[smem:$0x3FB8] =	sst s0;
	s0 =	simm.s32 @!p2 $0x0  }
0x16: {  	s3 =	sld [smem:$0x3FDB];
	s0 =	simm.s32 @p2 $0x1  }
0x17: {  	s4 =	simm.s32 $0x1BF5;
	[smem:$0x3FBA] =	sst s0  }
0x18: {  	s0 =	sld [smem:$0x3F9D];
	_ =	swait.ge [sflag:s4], $0x0  }
0x19: {  	s7 =	sld [smem:$0x3F9E]  }
0x1a: {  	s8 =	sadd.s32 $0xFFFFE003, lr  }
0x1b: {  	s9 =	sadd.s32 $0xFFFFFEF7, lr;
	s5 =	simm.s32 $0xFFFFFFFF;
	p2 =	slt.u32 s8, $0xFFFFF086  }
0x1c: {  	p1 =	slt.u32 s9, $0xF7A;
	s5 =	simm.s32 @!p2 $0x0  }
0x1d: {  	s5 =	simm.s32 @p1 $0x1;
	p0 =	seq.s32 s7, s2  }
0x1e: {  	s7 =	smul.u32 @!p0 $0xF7A, s2;
	p2 =	seq.s32 @!p0 s5, $0x0  }
0x1f: {  	s9 =	smul.u32 $0xF7A, s1;
	s8 =	simm.s32 @!p0 $0x1BF5;
	p2 =	por !p2, p0  }
0x20: {  	[sflag:s8] =	ssyncset.s32 @!p0 $0xFFFFF086;
	s6 =	sadd.s32 @!p0 s3, s7;
	s7 =	simm.s32 @!p0 $0x108  }
0x21: {  	s3 =	sadd.s32 s3, s9;
	s6 =	sadd.s32 @!p0 $0x88, s6;
	s7 =	simm.s32 @p2 $0x1082  }
0x22: {  	[simem:s7], [sflag:s8] =	dma.local @!p0 [hbm:s6], $0xF7A  }
0x23: {  	s9 =	sor.u32 $0xD0000000, s2;
	s6 =	simm.s32 $0x108;
	_ =	swait.ge @!p0 [sflag:s8], $0x0  }
0x24: {  	s3 =	sadd.s32 $0x88, s3;
	s6 =	simm.s32 @!p1 $0x1082;
	[sflag:s4] =	ssyncset.s32 $0xFFFFF086  }
0x25: {  	[simem:s6], [sflag:s4] =	dma.local [hbm:s3], $0xF7A  }
0x26: {  	[smem:$0x3F9E] =	sst s1;
	(tag) =	ssettag s2;
	_ =	strace s9  }
0x27: {  	s1 =	sld [smem:$0x3FAE]  }
0x28: {  	s2 =	sld [smem:$0x3FAF]  }
0x29: {  	s4 =	sld [smem:$0x3FB1]  }
0x2a: {  	p0 =	seq.s32 s5, $0x0;
	s5 =	sld [smem:$0x3FB2]  }
0x2b: {  	s6 =	sld [smem:$0x3FB3]  }
0x2c: {  	s7 =	sld [smem:$0x3FB4]  }
0x2d: {  	s3 =	simm.s32 $0x108;
	s8 =	sld [smem:$0x3FB5]  }
0x2e: {  	s3 =	simm.s32 @!p0 $0x1082;
	s9 =	sld [smem:$0x3FB6]  }
0x2f: {  	lr =	sadd.s32 s0, s3;
	s0 =	sld [smem:$0x3FAD]  }
0x30: {  	s3 =	sld [smem:$0x3FB0]  }
0x31: {  	[smem:$0x3FB9] =	sst s10  }
0x32: {  	s10 =	sld [smem:$0x3FB7];
	_ =	sdelay $0x3  }
0x33: {  	p0 =	seq.s32 s10, $0x1;
	s10 =	sld [smem:$0x3FB9];
	_ =	sdelay $0x3  }
0x34: {  	[smem:$0x3FB9] =	sst s10  }
0x35: {  	s10 =	sld [smem:$0x3FB8];
	_ =	sdelay $0x3  }
0x36: {  	p1 =	seq.s32 s10, $0x1;
	s10 =	sld [smem:$0x3FB9];
	_ =	sdelay $0x3  }
0x37: {  	[smem:$0x3FB9] =	sst s10  }
0x38: {  	s10 =	sld [smem:$0x3FBA]  }
0x39: {  	_ = 	snop;
	(pc) =	sbr.ind lr, $3  }
0x3a: {  	_ = 	snop  }
0x3b: {  	_ = 	snop  }
0x3c: {  	p2 =	seq.s32 s10, $0x1;
	s10 =	sld [smem:$0x3FB9]  }
0x3d: {  	_ =	shalt  }
0x3e: {  	_ =	shalt  }
0x3f: {  	_ =	shalt  }
0x40: {  	_ =	shalt  }
0x41: {  	_ =	shalt  }
0x42: {  	_ =	shalt  }
0x43: {  	_ =	shalt  }
0x44: {  	_ =	shalt  }
0x45: {  	_ =	shalt  }
0x46: {  	_ =	shalt  }
0x47: {  	_ =	shalt  }
0x48: {  	_ =	shalt  }
0x49: {  	_ =	shalt  }
0x4a: {  	_ =	shalt  }
0x4b: {  	_ =	shalt  }
0x4c: {  	_ =	shalt  }
0x4d: {  	_ =	shalt  }
0x4e: {  	_ =	shalt  }
0x4f: {  	_ =	shalt  }
0x50: {  	_ =	shalt  }
0x51: {  	_ =	shalt  }
0x52: {  	_ =	shalt  }
0x53: {  	_ =	shalt  }
0x54: {  	_ =	shalt  }
0x55: {  	_ =	shalt  }
0x56: {  	_ =	shalt  }
0x57: {  	_ =	shalt  }
0x58: {  	_ =	shalt  }
0x59: {  	_ =	shalt  }
0x5a: {  	_ =	shalt  }
0x5b: {  	_ =	shalt  }
0x5c: {  	_ =	shalt  }
0x5d: {  	_ =	shalt  }
0x5e: {  	_ =	shalt  }
0x5f: {  	_ =	shalt  }
0x60: {  	_ =	shalt  }
0x61: {  	_ =	shalt  }
0x62: {  	_ =	shalt  }
0x63: {  	_ =	shalt  }
0x64: {  	_ =	shalt  }
0x65: {  	_ =	shalt  }
0x66: {  	_ =	shalt  }
0x67: {  	_ =	shalt  }
0x68: {  	_ =	shalt  }
0x69: {  	_ =	shalt  }
0x6a: {  	_ =	shalt  }
0x6b: {  	_ =	shalt  }
0x6c: {  	_ =	shalt  }
0x6d: {  	_ =	shalt  }
0x6e: {  	_ =	shalt  }
0x6f: {  	_ =	shalt  }
0x70: {  	_ =	shalt  }
0x71: {  	_ =	shalt  }
0x72: {  	_ =	shalt  }
0x73: {  	_ =	shalt  }
0x74: {  	_ =	shalt  }
0x75: {  	_ =	shalt  }
0x76: {  	_ =	shalt  }
0x77: {  	_ =	shalt  }
0x78: {  	_ =	shalt  }
0x79: {  	_ =	shalt  }
0x7a: {  	_ =	shalt  }
0x7b: {  	_ =	shalt  }
0x7c: {  	_ =	shalt  }
0x7d: {  	_ =	shalt  }
0x7e: {  	_ =	shalt  }
0x7f: {  	_ =	shalt  }
0x80: {  	_ =	shalt  }
0x81: {  	_ =	shalt  }
0x82: {  	_ =	shalt  }
0x83: {  	_ =	shalt  }
0x84: {  	_ =	shalt  }
0x85: {  	_ =	shalt  }
0x86: {  	_ =	shalt  }
0x87: {  	_ =	shalt  }
.Lfunc_end0:
.L_simem_size_0:
called_computation_lowered:
.L_overlay_start_0:
0x88: {  	s2 =	sld [smem:$0x3FD9]  }
0x89: {  	s3 =	sld [smem:$0x3FFE];
	_ =	sdelay $0x1  }
0x8a: {  	s1 =	srdreg.scid  }
0x8b: {  	s0 =	sand.u32 $0x1, s1  }
0x8c: {  	s15 =	sshll.u32 s0, $0xA;
	s2 =	sadd.s32 s3, s2  }
0x8d: {  	s2 =	sadd.s32 s2, s15  }
0x8e: {  	[smem:$0x3FC5] =	sst s2  }
0x8f: {  	_ = 	snop  }
0x90: {  	s2 =	sld [smem:$0x3FD0]  }
0x91: {  	s16 =	sld [smem:$0x3FC9]  }
0x92: {  	s4 =	sld [smem:$0x3FC8]  }
0x93: {  	s6 =	simm.s32 $0xA;
	s7 =	simm.s32 $0x10;
	s5 =	sld [smem:$0x3FC7]  }
0x94: {  	[smem:s7], [sflag:s6] =	dma.local [hbm:s2], $0x1  }
0x95: {  	_ =	swait.eq [sflag:s6], $0x1  }
0x96: {  	[sflag:s6] =	ssyncset.done $0x0  }
0x97: {  	s17 =	sld [smem:$0x10];
	[sflag:s6] =	ssyncadd.s32 $0xFFFFFFFF  }
0x98: {  	s18 =	sld [smem:$0x11];
	(tm) =	ssettm $0x1  }
0x99: {  	s19 =	sld [smem:$0x3FFB];
	_ =	sdelay $0x3  }
0x9a: {  	_ =	strace s19  }
0x9b: {  	s7 =	sld [smem:$0x3FFC];
	_ =	sdelay $0x3  }
0x9c: {  	_ =	strace s7  }
0x9d: {  	s7 =	sld [smem:$0x3FFD];
	_ =	sdelay $0x3  }
0x9e: {  	_ =	strace s7  }
0x9f: {  	_ =	strace $0x8FFFFFFF  }
0xa0: {  	s20 =	sld [smem:$0x3FDB];
	_ =	sdelay $0x1  }
0xa1: {  	s8 =	simm.s32 $_scs_section_size  }
0xa2: {  	s9 =	simm.s32 $_size__tile_overlayer_lowered;
	s10 =	simm.s32 $_tile_overlayer_lowered  }
0xa3: {  	s23 =	simm.s32 $0x1BFF;
	s22 =	sshll.u32 s10, $0x1;
	s7 =	sadd.s32 s8, s20  }
0xa4: {  	s11 =	simm.s32 $0x0;
	s21 =	sshll.u32 s9, $0x1;
	s9 =	sadd.s32 s22, s7  }
0xa5: {  	[timem:s11], [sflag:s23] =	dma.local [hbm:s9], s21  }
0xa6: {  	_ =	swait.ge [sflag:s23], s21  }
0xa7: {  	s8 =	ssub.s32 $0x0, s21;
	[sflag:s23] =	ssyncset.done $0x0  }
0xa8: {  	[sflag:s23] =	ssyncadd.s32 s8;
	_ =	sdelay $0x1  }
0xa9: {  	s24 =	simm.s32 $0x1B8B  }
0xaa: {  	_ =	swait.ge [sflag:s24], $0x1  }
0xab: {  	[sflag:s24] =	ssyncset.done $0x0  }
0xac: {  	s25 =	simm.s32 $0x1B8E;
	[sflag:s24] =	ssyncadd.s32 $0xFFFFFFFF  }
0xad: {  	s26 =	simm.s32 $execute0_lowered;
	[smem:$0x3FD2] =	sst s25  }
0xae: {  	s8 =	sshll.u32 s26, $0x1;
	_ =	strace $0x80000046;
	[dreg:$0x1] =	wrdreg $0xFFFFFFFF  }
0xaf: {  	s28 =	simm.s32 $_size_execute0_lowered;
	s7 =	sadd.s32 s7, s8;
	[dreg:$0x0] =	wrdreg $0x0  }
0xb0: {  	s8 =	sshll.u32 s28, $0x1;
	[dreg:$0x2] =	wrdreg s7  }
0xb1: {  	[dreg:$0x3] =	wrdreg s8  }
0xb2: {  	[dreg:$0x4] =	wrdreg $0xC0  }
0xb3: {  	_ =	task [dreg:s11], $0x5FFFF  }
0xb4: {  	[dreg:$0x1] =	wrdreg $0xFFFFFFFF  }
0xb5: {  	[dreg:$0x0] =	wrdreg $0x60  }
0xb6: {  	[dreg:$0x2] =	wrdreg s16  }
0xb7: {  	[dreg:$0x3] =	wrdreg s4  }
0xb8: {  	[dreg:$0x4] =	wrdreg s5  }
0xb9: {  	[dreg:$0x5] =	wrdreg s17  }
0xba: {  	[dreg:$0x6] =	wrdreg s18  }
0xbb: {  	[dreg:$0x7] =	wrdreg $0x9  }
0xbc: {  	_ =	task.clear_ibuf [dreg:s11], $0x8FFFF;
	_ =	strace $0x90000046  }
0xbd: {  	s29 =	simm.s32 $0x9;
	_ =	strace $0x80000048  }
0xbe: {  	_ =	swait.ge [sflag:s29], $0x1  }
0xbf: {  	[sflag:s29] =	ssyncadd.s32 $0xFFFFFFFF  }
0xc0: {  	_ =	strace $0x90000048  }
0xc1: {  	_ =	sfence  }
0xc2: {  	s30 =	sld [smem:$0x0];
	_ =	sdelay $0x2  }
0xc3: {  	s31 =	sshll.u32 s1, $0xD;
	s1 =	sshrl.u32 s1, $0x2  }
0xc4: {  	s3 =	sand.u32 $0x4000, s31;
	s1 =	sadd.s32 s1, s30  }
0xc5: {  	s0 =	sor.u32 s3, s0;
	s1 =	sshll.u32 s1, $0x11  }
0xc6: {  	s0 =	sor.u32 s1, s0  }
0xc7: {  	s0 =	sadd.s32 $0x8F2B, s0  }
0xc8: {  	[sflag:s0] =	ssyncadd.remote.s32 $0x1  }
0xc9: {  	_ =	sfence.sel $0xFFFF  }
0xca: {  	[dreg:$0x0] =	wrdreg $0xFFFFFFFF;
	(pc) =	sbr.abs _section_cstart, $3  }
0xcb: {  	[dreg:$0x1] =	wrdreg $0xFFFFFFFF  }
0xcc: {  	_ =	task.clear_ibuf [dreg:s11], $0x2FFFF;
	_ =	strace $0x9FFFFFFF  }
0xcd: {  	(tm) =	ssettm $0x7FFFFFFF  }
tec
execute0_lowered:
.L_overlay_start_1:
0x0: {  	(tag) =	ssettag $0x1  }
0x1: {  	s1 =	rddreg [dreg:$0x0]  }
0x2: {  	s0 =	rddreg [dreg:$0x1]  }
0x3: {  	s2 =	rddreg [dreg:$0x2]  }
0x4: {  	s4 =	srdreg.scid;
	s3 =	rddreg [dreg:$0x3]  }
0x5: {  	s6 =	stileid.u32;
	s24 =	rddreg [dreg:$0x4];
	s31 =	simm.s32 $0x1  }
0x6: {  	s14 =	simm.s32 $0xFD00;
	s15 =	simm.s32 $0x10500;
	s16 =	simm.s32 $0x10D00  }
0x7: {  	s17 =	simm.s32 $0x11500;
	s18 =	simm.s32 $0x11D00;
	s19 =	simm.s32 $0x12500  }
0x8: {  	s20 =	simm.s32 $0x12D00;
	s21 =	simm.s32 $0x2;
	s22 =	simm.s32 $0x5  }
0x9: {  	s29 =	simm.s32 $0x9;
	s5 =	sand.u32 $0x1, s4;
	s23 =	sshll.u32 s6, $0x1  }
0xa: {  	s4 =	simm.s32 $0x0;
	s6 =	simm.s32 $0x8;
	s7 =	sor.u32 s5, s23  }
0xb: {  	[smem:$0x7FF] =	sst s4;
	s8 =	ssub.s32 $0x2, s5;
	s7 =	smul.u32 $0x630, s7  }
0xc: {  	s23 =	simm.s32 $0x15D00;
	_ =	strace $0x80000047;
	s25 =	sshrl.u32 s8, $0x1  }
0xd: {  	s5 =	smin.u32 s7, $0xBD20;
	s7 =	ssub.s32 s8, s25;
	s25 =	simm.s32 $0x6  }
0xe: {  	s8 =	simm.s32 $0x0;
	s9 =	sshrl.u32 s5, $0x3;
	s30 =	smax.u32 s7, $0x1  }
0xf: {  	s10 =	sshll.u32 s5, $0x5;
	s2 =	sadd.s32 s2, s9;
	[dreg:$0xb] =	wrdreg s30  }
0x10: {  	s11 =	sadd.s32 $0x30, s5;
	s26 =	sadd.s32 s1, s10;
	[dreg:$0x6] =	wrdreg s2  }
0x11: {  	s0 =	sadd.s32 s0, s9;
	s28 =	sadd.s32 s24, s9;
	[dreg:$0x7] =	wrdreg s26  }
0x12: {  	v2 =	vlaneseq.u32;
	s9 =	simm.s32 $0xA;
	s24 =	simm.s32 $0x3;
	[dreg:$0x9] =	wrdreg s0  }
0x13: {  	vm0 =	vmmov $0xffff;
	v1 =	vshrl.u32 v2, $0x3;
	s2 =	sadd.s32 $0x600, s26;
	[dreg:$0xa] =	wrdreg s28;
	s0 =	simm.s32 $0x6D00  }
0x14: {  	v0 =	vand.u32 $0x7, v2;
	v2 =	vor.u32 $0x8, v2;
	v1 =	vmul.u32 $0x8, v1;
	s26 =	simm.s32 $0x18D00;
	[dreg:$0x8] =	wrdreg s2;
	s2 =	simm.s32 $0x4  }
.LBB2_1:
0x15: {  	[dreg:$0xc] =	wrdreg s8  }
0x16: {  	s7 =	rddreg [dreg:$0x6];
	s13 =	simm.s32 $0xB  }
0x17: {  	[tilespmem:s4], [sflag:$0xB] =	stream.linear.gather [hbm4b:s7+s4], $0x630, $0x38;
	[tilespmem:$0x1BD00] =	vst v63  }
0x18: {  	_ =	swait.ge [sflag:s13], $0x630  }
0x19: {  	[sflag:s13] =	ssyncset.done $0x0  }
0x1a: {  	s30 =	simm.s32 $0xD00;
	s28 =	rddreg [dreg:$0x7];
	[sflag:s13] =	ssyncadd.s32 $0xFFFFF9D0  }
0x1b: {  	[tilespmem:s30], [sflag:$0x1] =	stream.linear.gather [hbm4b:s28+s4], $0x3000, $0x38;
	[tilespmem:$0x1BD00] =	vst v63  }
0x1c: {  	v3 =	vld [tilespmem:$0x0];
	_ =	sdelay $0x4  }
0x1d: {  	v4 =	vshll.u32 v3, $0x1  }
0x1e: {  	v3 =	vand.u32 $0x7, v3;
	v4 =	vand.u32 $0xFFFFFFF0, v4  }
0x1f: {  	v3 =	vor.u32 v3, v4  }
0x20: {  	v4 =	vperm.xlane v3, v0;
	_ =	sdelay $0x1  }
0x21: {  	v3 =	vperm.xlane v3, v2;
	v4 =	vadd.s32 v1, v4;
	_ =	sdelay $0x1  }
0x22: {  	v3 =	vadd.s32 v1, v3;
	_ =	sdelay $0x1  }
0x23: {  	s10 =	simm.s32 $0x9D00  }
0x24: {  	[tilespmem:s10], [sflag:$0x4] =	stream.indirect_vreg.gather [hbm4b:s1+s4], $0x80, v4, vm0, $0xb8;
	[tilespmem:$0x1BD00] =	vst v63  }
0x25: {  	s12 =	simm.s32 $0xA500  }
0x26: {  	[tilespmem:s12], [sflag:$0x4] =	stream.indirect_vreg.gather [hbm4b:s1+s4], $0x80, v3, vm0, $0xb8;
	[tilespmem:$0x1BD00] =	vst v63  }
0x27: {  	v3 =	vld [tilespmem:$0x10];
	_ =	sdelay $0x4  }
0x28: {  	v59 =	vshll.u32 v3, $0x1  }
0x29: {  	v3 =	vand.u32 $0x7, v3;
	v4 =	vand.u32 $0xFFFFFFF0, v59  }
0x2a: {  	v3 =	vor.u32 v3, v4  }
0x2b: {  	v4 =	vperm.xlane v3, v0;
	_ =	sdelay $0x1  }
0x2c: {  	v3 =	vperm.xlane v3, v2;
	v4 =	vadd.s32 v1, v4;
	_ =	sdelay $0x1  }
0x2d: {  	v3 =	vadd.s32 v1, v3;
	_ =	sdelay $0x1  }
0x2e: {  	s13 =	simm.s32 $0xAD00  }
0x2f: {  	[tilespmem:s13], [sflag:$0x4] =	stream.indirect_vreg.gather [hbm4b:s1+s4], $0x80, v4, vm0, $0xb8;
	[tilespmem:$0x1BD00] =	vst v63  }
0x30: {  	s28 =	simm.s32 $0xB500  }
0x31: {  	[tilespmem:s28], [sflag:$0x4] =	stream.indirect_vreg.gather [hbm4b:s1+s4], $0x80, v3, vm0, $0xb8;
	[tilespmem:$0x1BD00] =	vst v63  }
0x32: {  	v3 =	vld [tilespmem:$0x20];
	_ =	sdelay $0x4  }
0x33: {  	v60 =	vshll.u32 v3, $0x1  }
0x34: {  	v3 =	vand.u32 $0x7, v3;
	v4 =	vand.u32 $0xFFFFFFF0, v60  }
0x35: {  	v3 =	vor.u32 v3, v4  }
0x36: {  	v4 =	vperm.xlane v3, v0;
	_ =	sdelay $0x1  }
0x37: {  	v3 =	vperm.xlane v3, v2;
	v4 =	vadd.s32 v1, v4;
	_ =	sdelay $0x1  }
0x38: {  	v3 =	vadd.s32 v1, v3;
	_ =	sdelay $0x1  }
0x39: {  	s30 =	simm.s32 $0xBD00  }
0x3a: {  	[tilespmem:s30], [sflag:$0x4] =	stream.indirect_vreg.gather [hbm4b:s1+s4], $0x80, v4, vm0, $0xb8;
	[tilespmem:$0x1BD00] =	vst v63  }
0x3b: {  	s8 =	simm.s32 $0xC500  }
0x3c: {  	[tilespmem:s8], [sflag:$0x4] =	stream.indirect_vreg.gather [hbm4b:s1+s4], $0x80, v3, vm0, $0xb8;
	[tilespmem:$0x1BD00] =	vst v63  }
0x3d: {  	s10 =	rddreg [dreg:$0x8];
	s12 =	simm.s32 $0x3D00  }
0x3e: {  	[tilespmem:s12], [sflag:$0x2] =	stream.linear.gather [hbm4b:s10+s4], $0x3000, $0x38;
	[tilespmem:$0x1BD00] =	vst v63  }
0x3f: {  	v3 =	vld [tilespmem:$0x30];
	_ =	sdelay $0x4  }
0x40: {  	v61 =	vshll.u32 v3, $0x1  }
0x41: {  	v3 =	vand.u32 $0x7, v3;
	v4 =	vand.u32 $0xFFFFFFF0, v61  }
0x42: {  	v3 =	vor.u32 v3, v4  }
0x43: {  	v4 =	vperm.xlane v3, v0;
	_ =	sdelay $0x1  }
0x44: {  	v3 =	vperm.xlane v3, v2;
	v4 =	vadd.s32 v1, v4;
	_ =	sdelay $0x1  }
0x45: {  	v3 =	vadd.s32 v1, v3;
	_ =	sdelay $0x1  }
0x46: {  	s13 =	simm.s32 $0xCD00  }
0x47: {  	[tilespmem:s13], [sflag:$0x5] =	stream.indirect_vreg.gather [hbm4b:s1+s4], $0x80, v4, vm0, $0xb8;
	[tilespmem:$0x1BD00] =	vst v63  }
0x48: {  	s28 =	simm.s32 $0xD500  }
0x49: {  	[tilespmem:s28], [sflag:$0x5] =	stream.indirect_vreg.gather [hbm4b:s1+s4], $0x80, v3, vm0, $0xb8;
	[tilespmem:$0x1BD00] =	vst v63  }
0x4a: {  	v3 =	vld [tilespmem:$0x40];
	_ =	sdelay $0x4  }
0x4b: {  	v62 =	vshll.u32 v3, $0x1  }
0x4c: {  	v3 =	vand.u32 $0x7, v3;
	v4 =	vand.u32 $0xFFFFFFF0, v62  }
0x4d: {  	v3 =	vor.u32 v3, v4  }
0x4e: {  	v4 =	vperm.xlane v3, v0;
	_ =	sdelay $0x1  }
0x4f: {  	v3 =	vperm.xlane v3, v2;
	v4 =	vadd.s32 v1, v4;
	_ =	sdelay $0x1  }
0x50: {  	v3 =	vadd.s32 v1, v3;
	_ =	sdelay $0x1  }
0x51: {  	s30 =	simm.s32 $0xDD00  }
0x52: {  	[tilespmem:s30], [sflag:$0x5] =	stream.indirect_vreg.gather [hbm4b:s1+s4], $0x80, v4, vm0, $0xb8;
	[tilespmem:$0x1BD00] =	vst v63  }
0x53: {  	s8 =	simm.s32 $0xE500  }
0x54: {  	[tilespmem:s8], [sflag:$0x5] =	stream.indirect_vreg.gather [hbm4b:s1+s4], $0x80, v3, vm0, $0xb8;
	[tilespmem:$0x1BD00] =	vst v63  }
0x55: {  	v3 =	vld [tilespmem:$0x50];
	_ =	sdelay $0x4  }
0x56: {  	v63 =	vshll.u32 v3, $0x1  }
0x57: {  	v3 =	vand.u32 $0x7, v3;
	v4 =	vand.u32 $0xFFFFFFF0, v63  }
0x58: {  	v3 =	vor.u32 v3, v4  }
0x59: {  	v4 =	vperm.xlane v3, v0;
	_ =	sdelay $0x1  }
0x5a: {  	v3 =	vperm.xlane v3, v2;
	v4 =	vadd.s32 v1, v4;
	_ =	sdelay $0x1  }
0x5b: {  	v3 =	vadd.s32 v1, v3;
	_ =	sdelay $0x1  }
0x5c: {  	s10 =	simm.s32 $0xED00  }
0x5d: {  	[tilespmem:s10], [sflag:$0x5] =	stream.indirect_vreg.gather [hbm4b:s1+s4], $0x80, v4, vm0, $0xb8;
	[tilespmem:$0x1BD00] =	vst v63  }
0x5e: {  	s12 =	simm.s32 $0xF500  }
0x5f: {  	[tilespmem:s12], [sflag:$0x5] =	stream.indirect_vreg.gather [hbm4b:s1+s4], $0x80, v3, vm0, $0xb8;
	[tilespmem:$0x1BD00] =	vst v63  }
0x60: {  	s13 =	rddreg [dreg:$0x9];
	s28 =	simm.s32 $0x680  }
0x61: {  	[tilespmem:s28], [sflag:$0xA] =	stream.linear.gather [hbm4b:s13+s4], $0x630, $0x38;
	[tilespmem:$0x1BD00] =	vst v63  }
0x62: {  	_ =	swait.ge [sflag:s9], $0x630  }
0x63: {  	[sflag:s9] =	ssyncset.done $0x0  }
0x64: {  	s30 =	rddreg [dreg:$0xa];
	[sflag:s9] =	ssyncadd.s32 $0xFFFFF9D0;
	s9 =	simm.s32 $0x0  }
0x65: {  	[hbm4b:s30+s4] =	stream.linear.scatter [tilespmem:s28], [sflag:$0xA], $0x630, $0x38;
	[tilespmem:$0x1BD00] =	vst v63  }
.LBB2_2:
0x66: {  	_ =	swait.ge [sflag:s31], $0x3000;
	s12 =	smul.u32 $0x90, s9  }
0x67: {  	[sflag:s31] =	ssyncset.done $0x0  }
0x68: {  	[sflag:s31] =	ssyncadd.s32 $0xFFFFD000;
	s7 =	sadd.s32 $0x60, s12  }
0x69: {  	_ =	swait.ge [sflag:s2], $0x3000;
	s7 =	sadd.s32 s5, s7  }
0x6a: {  	[sflag:s2] =	ssyncset.done $0x0;
	s10 =	sshll.u32 s7, $0x5  }
0x6b: {  	[sflag:s2] =	ssyncadd.s32 $0xFFFFD000;
	s7 =	sadd.s32 s1, s10  }
0x6c: {  	[tilespmem:s0], [sflag:$0x3] =	stream.linear.gather [hbm4b:s7+s4], $0x3000, $0x38;
	[tilespmem:$0x1BD00] =	vst v63  }
0x6d: {  	v3 =	vld [tilespmem:s12+$0x60];
	_ =	sdelay $0x4  }
0x6e: {  	v4 =	vshll.u32 v3, $0x1  }
0x6f: {  	v3 =	vand.u32 $0x7, v3;
	v4 =	vand.u32 $0xFFFFFFF0, v4  }
0x70: {  	v3 =	vor.u32 v3, v4  }
0x71: {  	v4 =	vperm.xlane v3, v0;
	_ =	sdelay $0x1  }
0x72: {  	v3 =	vperm.xlane v3, v2;
	v4 =	vadd.s32 v1, v4;
	_ =	sdelay $0x1  }
0x73: {  	v3 =	vadd.s32 v1, v3;
	_ =	sdelay $0x2  }
0x74: {  	[tilespmem:s14], [sflag:$0x6] =	stream.indirect_vreg.gather [hbm4b:s1+s4], $0x80, v4, vm0, $0xb8;
	[tilespmem:$0x1BD00] =	vst v63  }
0x75: {  	_ = 	snop  }
0x76: {  	[tilespmem:s15], [sflag:$0x6] =	stream.indirect_vreg.gather [hbm4b:s1+s4], $0x80, v3, vm0, $0xb8;
	[tilespmem:$0x1BD00] =	vst v63  }
0x77: {  	v3 =	vld [tilespmem:s12+$0x70];
	_ =	sdelay $0x4  }
0x78: {  	v4 =	vshll.u32 v3, $0x1  }
0x79: {  	v3 =	vand.u32 $0x7, v3;
	v4 =	vand.u32 $0xFFFFFFF0, v4  }
0x7a: {  	v3 =	vor.u32 v3, v4  }
0x7b: {  	v4 =	vperm.xlane v3, v0;
	_ =	sdelay $0x1  }
0x7c: {  	v3 =	vperm.xlane v3, v2;
	v4 =	vadd.s32 v1, v4;
	_ =	sdelay $0x1  }
0x7d: {  	v3 =	vadd.s32 v1, v3;
	_ =	sdelay $0x2  }
0x7e: {  	[tilespmem:s16], [sflag:$0x6] =	stream.indirect_vreg.gather [hbm4b:s1+s4], $0x80, v4, vm0, $0xb8;
	[tilespmem:$0x1BD00] =	vst v63  }
0x7f: {  	_ = 	snop  }
0x80: {  	[tilespmem:s17], [sflag:$0x6] =	stream.indirect_vreg.gather [hbm4b:s1+s4], $0x80, v3, vm0, $0xb8;
	[tilespmem:$0x1BD00] =	vst v63  }
0x81: {  	v3 =	vld [tilespmem:s12+$0x80];
	_ =	sdelay $0x4  }
0x82: {  	v4 =	vshll.u32 v3, $0x1  }
0x83: {  	v3 =	vand.u32 $0x7, v3;
	v4 =	vand.u32 $0xFFFFFFF0, v4  }
0x84: {  	v3 =	vor.u32 v3, v4  }
0x85: {  	v4 =	vperm.xlane v3, v0;
	_ =	sdelay $0x1  }
0x86: {  	v3 =	vperm.xlane v3, v2;
	v4 =	vadd.s32 v1, v4;
	_ =	sdelay $0x1  }
0x87: {  	v3 =	vadd.s32 v1, v3;
	_ =	sdelay $0x1  }
0x88: {  	p0 =	seq.s32 s9, $0x0  }
0x89: {  	[tilespmem:s18], [sflag:$0x6] =	stream.indirect_vreg.gather [hbm4b:s1+s4], $0x80, v4, vm0, $0xb8;
	[tilespmem:$0x1BD00] =	vst v63  }
0x8a: {  	s7 =	simm.s32 @!p0 $0x7  }
0x8b: {  	[tilespmem:s19], [sflag:$0x6] =	stream.indirect_vreg.gather [hbm4b:s1+s4], $0x80, v3, vm0, $0xb8;
	[tilespmem:$0x1BD00] =	vst v63  }
0x8c: {  	s13 =	simm.s32 $0x0;
	_ =	swait.ge @!p0 [sflag:s7], $0x3000  }
0x8d: {  	s28 =	sand.u32 $0x3800, s13;
	s13 =	sand.u32 $0x380, s13;
	[sflag:s7] =	ssyncset.done @!p0 $0x0  }
0x8e: {  	[sflag:s7] =	ssyncadd.s32 @!p0 $0xFFFFD000;
	s7 =	sor.u32 s13, s28  }
0x8f: {  	v3 =	vld [tilespmem:s7+$0x1170]  }
0x90: {  	v4 =	vld [tilespmem:s7+$0xA170]  }
0x91: {  	v5 =	vld [tilespmem:s7+$0xD00]  }
0x92: {  	v6 =	vld [tilespmem:s7+$0x9D00]  }
0x93: {  	v7 =	vld [tilespmem:s7+$0xD10]  }
0x94: {  	v8 =	vld [tilespmem:s7+$0x9D10]  }
0x95: {  	v9 =	vld [tilespmem:s7+$0xD20];
	v3 =	vmul.f32 $6.999999880e-01, v3;
	v4 =	vmul.f32 $3.000000120e-01, v4  }
0x96: {  	v10 =	vld [tilespmem:s7+$0x9D20]  }
0x97: {  	v11 =	vld [tilespmem:s7+$0xD30];
	v5 =	vmul.f32 $6.999999880e-01, v5;
	v6 =	vmul.f32 $3.000000120e-01, v6;
	v3 =	vadd.f32 v4, v3  }
0x98: {  	v4 =	vld [tilespmem:s7+$0x9D30]  }
0x99: {  	v12 =	vld [tilespmem:s7+$0xD40];
	v5 =	vadd.f32 v6, v5;
	v6 =	vmul.f32 $3.000000120e-01, v8;
	[tilespmem:s7+$0x13170] =	vst v3;
	v3 =	vmul.f32 $6.999999880e-01, v7  }
0x9a: {  	v7 =	vld [tilespmem:s7+$0x9D40]  }
0x9b: {  	v8 =	vmul.f32 $3.000000120e-01, v10;
	[tilespmem:s7+$0x12D00] =	vst v5;
	v5 =	vld [tilespmem:s7+$0xD50];
	v3 =	vadd.f32 v6, v3;
	v6 =	vmul.f32 $6.999999880e-01, v9  }
0x9c: {  	v9 =	vld [tilespmem:s7+$0x9D50]  }
0x9d: {  	v10 =	vld [tilespmem:s7+$0x9D60];
	v4 =	vmul.f32 $3.000000120e-01, v4;
	[tilespmem:s7+$0x12D10] =	vst v3;
	v3 =	vadd.f32 v8, v6;
	v8 =	vmul.f32 $6.999999880e-01, v11  }
0x9e: {  	v6 =	vld [tilespmem:s7+$0xD60]  }
0x9f: {  	v11 =	vld [tilespmem:s7+$0x9D70];
	v7 =	vmul.f32 $3.000000120e-01, v7;
	[tilespmem:s7+$0x12D20] =	vst v3;
	v3 =	vadd.f32 v4, v8;
	v8 =	vmul.f32 $6.999999880e-01, v12  }
0xa0: {  	v4 =	vld [tilespmem:s7+$0xD70]  }
0xa1: {  	v5 =	vmul.f32 $6.999999880e-01, v5;
	[tilespmem:s7+$0x12D30] =	vst v3;
	v3 =	vadd.f32 v7, v8;
	v7 =	vld [tilespmem:s7+$0x1100];
	v8 =	vmul.f32 $3.000000120e-01, v9  }
0xa2: {  	v9 =	vld [tilespmem:s7+$0xA100]  }
0xa3: {  	v6 =	vmul.f32 $6.999999880e-01, v6;
	[tilespmem:s7+$0x12D40] =	vst v3;
	v3 =	vadd.f32 v8, v5;
	v5 =	vld [tilespmem:s7+$0x1110];
	v8 =	vmul.f32 $3.000000120e-01, v10  }
0xa4: {  	v10 =	vld [tilespmem:s7+$0xA110]  }
0xa5: {  	v4 =	vmul.f32 $6.999999880e-01, v4;
	[tilespmem:s7+$0x12D50] =	vst v3;
	v3 =	vadd.f32 v8, v6;
	v6 =	vld [tilespmem:s7+$0x1120];
	v8 =	vmul.f32 $3.000000120e-01, v11  }
0xa6: {  	v11 =	vld [tilespmem:s7+$0xA120]  }
0xa7: {  	[tilespmem:s7+$0x12D60] =	vst v3;
	v3 =	vadd.f32 v8, v4;
	v8 =	vld [tilespmem:s7+$0x1130];
	v4 =	vmul.f32 $6.999999880e-01, v7;
	v7 =	vmul.f32 $3.000000120e-01, v9  }
0xa8: {  	v9 =	vld [tilespmem:s7+$0xA130]  }
0xa9: {  	v5 =	vmul.f32 $6.999999880e-01, v5;
	v10 =	vmul.f32 $3.000000120e-01, v10;
	[tilespmem:s7+$0x12D70] =	vst v3;
	v3 =	vadd.f32 v7, v4;
	v7 =	vld [tilespmem:s7+$0x1140]  }
0xaa: {  	v4 =	vld [tilespmem:s7+$0xA140]  }
0xab: {  	s8 =	simm.s32 $0x100;
	s28 =	simm.s32 $0x80;
	v10 =	vadd.f32 v10, v5;
	v5 =	vld [tilespmem:s7+$0x1150];
	v63 =	vmul.f32 $6.999999880e-01, v6;
	v11 =	vmul.f32 $3.000000120e-01, v11  }
0xac: {  	s13 =	sand.u32 $0x3800, s8;
	s30 =	sand.u32 $0x380, s28;
	[tilespmem:s7+$0x13100] =	vst v3;
	v3 =	vld [tilespmem:s7+$0xA150]  }
0xad: {  	v6 =	vld [tilespmem:s7+$0x1160];
	[tilespmem:s7+$0x13110] =	vst v10;
	v10 =	vmul.f32 $3.000000120e-01, v9;
	v8 =	vmul.f32 $6.999999880e-01, v8;
	v11 =	vadd.f32 v11, v63  }
0xae: {  	s13 =	sor.u32 s30, s13;
	s30 =	simm.s32 $0x200;
	v9 =	vmul.f32 $6.999999880e-01, v7;
	v7 =	vld [tilespmem:s7+$0xA160]  }
.LBB2_3:
0xaf: {  	p0 =	sne.s32 s30, $0x2F00;
	v12 =	vld [tilespmem:s13+$0x1170];
	[tilespmem:s7+$0x13120] =	vst v11;
	v8 =	vadd.f32 v10, v8;
	v4 =	vmul.f32 $3.000000120e-01, v4  }
0xb0: {  	v10 =	vld [tilespmem:s13+$0xA170];
	v5 =	vmul.f32 $6.999999880e-01, v5  }
0xb1: {  	v11 =	vld [tilespmem:s13+$0xD00];
	[tilespmem:s7+$0x13130] =	vst v8;
	v4 =	vadd.f32 v4, v9;
	v3 =	vmul.f32 $3.000000120e-01, v3  }
0xb2: {  	v8 =	vld [tilespmem:s13+$0x9D00];
	v6 =	vmul.f32 $6.999999880e-01, v6  }
0xb3: {  	v9 =	vld [tilespmem:s13+$0xD10];
	[tilespmem:s7+$0x13140] =	vst v4;
	v3 =	vadd.f32 v3, v5;
	v4 =	vmul.f32 $3.000000120e-01, v7  }
0xb4: {  	v5 =	vld [tilespmem:s13+$0x9D10]  }
0xb5: {  	v12 =	vmul.f32 $6.999999880e-01, v12;
	v7 =	vld [tilespmem:s13+$0xD20];
	v10 =	vmul.f32 $3.000000120e-01, v10;
	[tilespmem:s7+$0x13150] =	vst v3;
	v3 =	vadd.f32 v4, v6  }
0xb6: {  	v4 =	vmul.f32 $6.999999880e-01, v11;
	v6 =	vld [tilespmem:s13+$0x9D20]  }
0xb7: {  	v8 =	vmul.f32 $3.000000120e-01, v8;
	v11 =	vld [tilespmem:s13+$0xD30];
	v10 =	vadd.f32 v10, v12;
	[tilespmem:s7+$0x13160] =	vst v3;
	s7 =	smov.u32 s13  }
0xb8: {  	v3 =	vmul.f32 $6.999999880e-01, v9;
	v9 =	vld [tilespmem:s7+$0x9D30]  }
0xb9: {  	v4 =	vadd.f32 v8, v4;
	v5 =	vmul.f32 $3.000000120e-01, v5;
	v8 =	vld [tilespmem:s7+$0xD40];
	[tilespmem:s7+$0x13170] =	vst v10  }
0xba: {  	v7 =	vmul.f32 $6.999999880e-01, v7;
	v10 =	vld [tilespmem:s7+$0x9D40]  }
0xbb: {  	[tilespmem:s7+$0x12D00] =	vst v4;
	v3 =	vadd.f32 v5, v3;
	v4 =	vmul.f32 $3.000000120e-01, v6;
	v5 =	vld [tilespmem:s7+$0xD50]  }
0xbc: {  	v6 =	vmul.f32 $6.999999880e-01, v11;
	v11 =	vld [tilespmem:s7+$0x9D50]  }
0xbd: {  	[tilespmem:s7+$0x12D10] =	vst v3;
	v3 =	vadd.f32 v4, v7;
	v4 =	vmul.f32 $3.000000120e-01, v9;
	v7 =	vld [tilespmem:s7+$0xD60]  }
0xbe: {  	v8 =	vmul.f32 $6.999999880e-01, v8;
	v9 =	vld [tilespmem:s7+$0x9D60]  }
0xbf: {  	[tilespmem:s7+$0x12D20] =	vst v3;
	v3 =	vadd.f32 v4, v6;
	v4 =	vmul.f32 $3.000000120e-01, v10;
	v6 =	vld [tilespmem:s7+$0xD70]  }
0xc0: {  	v5 =	vmul.f32 $6.999999880e-01, v5;
	v10 =	vld [tilespmem:s7+$0x9D70]  }
0xc1: {  	[tilespmem:s7+$0x12D30] =	vst v3;
	v3 =	vadd.f32 v4, v8;
	v4 =	vmul.f32 $3.000000120e-01, v11;
	v8 =	vld [tilespmem:s7+$0x1100]  }
0xc2: {  	v7 =	vmul.f32 $6.999999880e-01, v7;
	v11 =	vld [tilespmem:s7+$0xA100]  }
0xc3: {  	[tilespmem:s7+$0x12D40] =	vst v3;
	v3 =	vadd.f32 v4, v5;
	v4 =	vmul.f32 $3.000000120e-01, v9;
	v5 =	vld [tilespmem:s7+$0x1110]  }
0xc4: {  	v6 =	vmul.f32 $6.999999880e-01, v6;
	v9 =	vld [tilespmem:s7+$0xA110]  }
0xc5: {  	[tilespmem:s7+$0x12D50] =	vst v3;
	v3 =	vadd.f32 v4, v7;
	v4 =	vmul.f32 $3.000000120e-01, v10;
	v7 =	vld [tilespmem:s7+$0x1120]  }
0xc6: {  	v8 =	vmul.f32 $6.999999880e-01, v8;
	v10 =	vld [tilespmem:s7+$0xA120]  }
0xc7: {  	[tilespmem:s7+$0x12D60] =	vst v3;
	v3 =	vadd.f32 v4, v6;
	v4 =	vmul.f32 $3.000000120e-01, v11;
	v6 =	vld [tilespmem:s7+$0x1130]  }
0xc8: {  	v5 =	vmul.f32 $6.999999880e-01, v5;
	v12 =	vld [tilespmem:s7+$0xA130]  }
0xc9: {  	[tilespmem:s7+$0x12D70] =	vst v3;
	v3 =	vadd.f32 v4, v8;
	v8 =	vmul.f32 $3.000000120e-01, v9;
	v9 =	vld [tilespmem:s7+$0x1140]  }
.Ltmp0:
0xca: {  	v7 =	vmul.f32 $6.999999880e-01, v7;
	v4 =	vld [tilespmem:s7+$0xA140];
	(pc) =	sbr.rel @p0 .LBB2_3-.Ltmp0, $4  }
0xcb: {  	[tilespmem:s7+$0x13100] =	vst v3;
	v11 =	vadd.f32 v8, v5;
	v10 =	vmul.f32 $3.000000120e-01, v10;
	v5 =	vld [tilespmem:s7+$0x1150]  }
0xcc: {  	s28 =	sadd.s32 $0x80, s28;
	v8 =	vmul.f32 $6.999999880e-01, v6;
	v3 =	vld [tilespmem:s7+$0xA150]  }
0xcd: {  	s8 =	sand.u32 $0x380, s28;
	s13 =	sand.u32 $0x3800, s30;
	[tilespmem:s7+$0x13110] =	vst v11;
	v11 =	vadd.f32 v10, v7;
	v10 =	vmul.f32 $3.000000120e-01, v12;
	v6 =	vld [tilespmem:s7+$0x1160]  }
0xce: {  	s30 =	sadd.s32 $0x100, s30;
	s13 =	sor.u32 s8, s13;
	v9 =	vmul.f32 $6.999999880e-01, v9;
	v7 =	vld [tilespmem:s7+$0xA160]  }
0xcf: {  	v12 =	vld [tilespmem:s13+$0x1170];
	[tilespmem:s7+$0x13120] =	vst v11;
	v8 =	vadd.f32 v10, v8;
	v4 =	vmul.f32 $3.000000120e-01, v4  }
0xd0: {  	v10 =	vld [tilespmem:s13+$0xA170]  }
0xd1: {  	v11 =	vld [tilespmem:s13+$0xD00];
	v5 =	vmul.f32 $6.999999880e-01, v5;
	[tilespmem:s7+$0x13130] =	vst v8;
	v4 =	vadd.f32 v4, v9;
	v3 =	vmul.f32 $3.000000120e-01, v3  }
0xd2: {  	v8 =	vld [tilespmem:s13+$0x9D00]  }
0xd3: {  	v9 =	vld [tilespmem:s13+$0xD10];
	[tilespmem:s7+$0x13140] =	vst v4;
	v3 =	vadd.f32 v3, v5;
	v5 =	vmul.f32 $6.999999880e-01, v6;
	v6 =	vmul.f32 $3.000000120e-01, v7  }
0xd4: {  	v4 =	vld [tilespmem:s13+$0x9D10]  }
0xd5: {  	v7 =	vld [tilespmem:s13+$0xD20];
	[tilespmem:s7+$0x13150] =	vst v3;
	v3 =	vadd.f32 v6, v5  }
0xd6: {  	v6 =	vmul.f32 $6.999999880e-01, v12;
	v10 =	vmul.f32 $3.000000120e-01, v10;
	v5 =	vld [tilespmem:s13+$0x9D20]  }
0xd7: {  	v60 =	vld [tilespmem:s13+$0xD30];
	[tilespmem:s7+$0x13160] =	vst v3  }
0xd8: {  	v3 =	vmul.f32 $6.999999880e-01, v11;
	v8 =	vmul.f32 $3.000000120e-01, v8;
	v6 =	vadd.f32 v10, v6;
	v10 =	vld [tilespmem:s13+$0x9D30]  }
0xd9: {  	v11 =	vld [tilespmem:s13+$0xD40]  }
0xda: {  	v61 =	vld [tilespmem:s13+$0xA160];
	v3 =	vadd.f32 v8, v3;
	[tilespmem:s13+$0x13170] =	vst v6;
	v6 =	vmul.f32 $6.999999880e-01, v9;
	v4 =	vmul.f32 $3.000000120e-01, v4  }
0xdb: {  	v8 =	vld [tilespmem:s13+$0x9D40]  }
0xdc: {  	[tilespmem:s13+$0x12D00] =	vst v3;
	v3 =	vadd.f32 v4, v6;
	v4 =	vld [tilespmem:s13+$0xD50];
	v6 =	vmul.f32 $6.999999880e-01, v7;
	v5 =	vmul.f32 $3.000000120e-01, v5  }
0xdd: {  	v7 =	vld [tilespmem:s13+$0x9D50]  }
0xde: {  	[tilespmem:s13+$0x12D10] =	vst v3;
	v3 =	vadd.f32 v5, v6;
	v5 =	vld [tilespmem:s13+$0xD60];
	v6 =	vmul.f32 $6.999999880e-01, v60;
	v9 =	vmul.f32 $3.000000120e-01, v10  }
0xdf: {  	v10 =	vld [tilespmem:s13+$0x9D60]  }
0xe0: {  	v8 =	vmul.f32 $3.000000120e-01, v8;
	[tilespmem:s13+$0x12D20] =	vst v3;
	v3 =	vadd.f32 v9, v6;
	v6 =	vld [tilespmem:s13+$0xD70];
	v9 =	vmul.f32 $6.999999880e-01, v11  }
0xe1: {  	v11 =	vld [tilespmem:s13+$0x9D70]  }
0xe2: {  	v4 =	vmul.f32 $6.999999880e-01, v4;
	v7 =	vmul.f32 $3.000000120e-01, v7;
	[tilespmem:s13+$0x12D30] =	vst v3;
	v3 =	vadd.f32 v8, v9;
	v8 =	vld [tilespmem:s13+$0x1100]  }
0xe3: {  	v9 =	vld [tilespmem:s13+$0xA100]  }
0xe4: {  	v5 =	vmul.f32 $6.999999880e-01, v5;
	[tilespmem:s13+$0x12D40] =	vst v3;
	v3 =	vadd.f32 v7, v4;
	v4 =	vld [tilespmem:s13+$0x1110];
	v7 =	vmul.f32 $3.000000120e-01, v10  }
0xe5: {  	v10 =	vld [tilespmem:s13+$0xA110]  }
0xe6: {  	v6 =	vmul.f32 $6.999999880e-01, v6;
	[tilespmem:s13+$0x12D50] =	vst v3;
	v3 =	vadd.f32 v7, v5;
	v5 =	vld [tilespmem:s13+$0x1120];
	v7 =	vmul.f32 $3.000000120e-01, v11  }
0xe7: {  	v11 =	vld [tilespmem:s13+$0xA120]  }
0xe8: {  	[tilespmem:s13+$0x12D60] =	vst v3;
	v3 =	vadd.f32 v7, v6;
	v6 =	vld [tilespmem:s13+$0x1130];
	v7 =	vmul.f32 $6.999999880e-01, v8;
	v8 =	vmul.f32 $3.000000120e-01, v9  }
0xe9: {  	v9 =	vld [tilespmem:s13+$0xA130]  }
0xea: {  	v4 =	vmul.f32 $6.999999880e-01, v4;
	[tilespmem:s13+$0x12D70] =	vst v3;
	v3 =	vadd.f32 v8, v7;
	v7 =	vld [tilespmem:s13+$0x1140];
	v8 =	vmul.f32 $3.000000120e-01, v10  }
0xeb: {  	v10 =	vld [tilespmem:s13+$0xA140]  }
0xec: {  	[tilespmem:s13+$0x13100] =	vst v3;
	v3 =	vadd.f32 v8, v4;
	v4 =	vld [tilespmem:s13+$0x1150]  }
0xed: {  	v8 =	vld [tilespmem:s13+$0xA150]  }
0xee: {  	[tilespmem:s13+$0x13110] =	vst v3;
	v3 =	vld [tilespmem:s13+$0x1160]  }
0xef: {  	v5 =	vmul.f32 $6.999999880e-01, v5;
	v11 =	vmul.f32 $3.000000120e-01, v11  }
0xf0: {  	v6 =	vmul.f32 $6.999999880e-01, v6;
	v9 =	vmul.f32 $3.000000120e-01, v9  }
0xf1: {  	v5 =	vadd.f32 v11, v5;
	v7 =	vmul.f32 $6.999999880e-01, v7;
	v10 =	vmul.f32 $3.000000120e-01, v10  }
0xf2: {  	v6 =	vadd.f32 v9, v6;
	v4 =	vmul.f32 $6.999999880e-01, v4;
	v8 =	vmul.f32 $3.000000120e-01, v8  }
0xf3: {  	[tilespmem:s13+$0x13120] =	vst v5;
	v5 =	vadd.f32 v10, v7;
	v7 =	vmul.f32 $3.000000120e-01, v61;
	v3 =	vmul.f32 $6.999999880e-01, v3  }
0xf4: {  	[tilespmem:s13+$0x13130] =	vst v6;
	v4 =	vadd.f32 v8, v4  }
0xf5: {  	s8 =	sadd.s32 s5, s12;
	[tilespmem:s13+$0x13140] =	vst v5;
	v3 =	vadd.f32 v7, v3  }
0xf6: {  	s7 =	sshll.u32 s8, $0x5;
	[tilespmem:s13+$0x13150] =	vst v4  }
0xf7: {  	s7 =	sadd.s32 s3, s7;
	[tilespmem:s13+$0x13160] =	vst v3  }
0xf8: {  	[hbm4b:s7+s4] =	stream.linear.scatter [tilespmem:s20], [sflag:$0x7], $0x3000, $0x38;
	[tilespmem:$0x1BD00] =	vst v63  }
0xf9: {  	_ =	swait.ge [sflag:s21], $0x3000  }
0xfa: {  	p0 =	seq.s32 s9, $0xA;
	[sflag:s21] =	ssyncset.done $0x0  }
0xfb: {  	s7 =	sadd.s32 @!p0 $0x90, s12;
	[sflag:s21] =	ssyncadd.s32 $0xFFFFD000  }
0xfc: {  	s7 =	sadd.s32 @!p0 s5, s7;
	_ =	swait.ge [sflag:s22], $0x3000  }
0xfd: {  	s8 =	simm.s32 @!p0 $0x0;
	s7 =	sshll.u32 @!p0 s7, $0x5;
	[sflag:s22] =	ssyncset.done $0x0  }
0xfe: {  	s13 =	simm.s32 @!p0 $0xD00;
	s7 =	sadd.s32 @!p0 s1, s7;
	[sflag:s22] =	ssyncadd.s32 $0xFFFFD000  }
0xff: {  	[tilespmem:s13], [sflag:$0x1] =	stream.linear.gather @!p0 [hbm4b:s7+s8], $0x3000, $0x38;
	[tilespmem:$0x1BD00] =	vst v63  }
0x100: {  	v3 =	vld @!p0 [tilespmem:s12+$0x90];
	_ =	sdelay $0x4  }
0x101: {  	v4 =	vshll.u32 @!p0 v3, $0x1  }
0x102: {  	v5 =	vlaneseq.u32 @!p0;
	v3 =	vand.u32 @!p0 $0x7, v3;
	v4 =	vand.u32 @!p0 $0xFFFFFFF0, v4  }
0x103: {  	v6 =	vshrl.u32 @!p0 v5, $0x3;
	v3 =	vor.u32 @!p0 v3, v4;
	v4 =	vand.u32 @!p0 $0x7, v5  }
0x104: {  	v6 =	vmul.u32 @!p0 $0x8, v6;
	v7 =	vperm.xlane @!p0 v3, v4  }
0x105: {  	v5 =	vor.u32 @!p0 $0x8, v5  }
0x106: {  	v3 =	vperm.xlane @!p0 v3, v5;
	v7 =	vadd.s32 @!p0 v6, v7;
	_ =	sdelay $0x1  }
0x107: {  	v3 =	vadd.s32 @!p0 v6, v3;
	_ =	sdelay $0x1  }
0x108: {  	vm1 =	vmmov @!p0 $0xffff;
	s7 =	simm.s32 @!p0 $0x9D00  }
0x109: {  	[tilespmem:s7], [sflag:$0x4] =	stream.indirect_vreg.gather @!p0 [hbm4b:s1+s8], $0x80, v7, vm1, $0xb8;
	[tilespmem:$0x1BD00] =	vst v63  }
0x10a: {  	s7 =	simm.s32 @!p0 $0xA500  }
0x10b: {  	[tilespmem:s7], [sflag:$0x4] =	stream.indirect_vreg.gather @!p0 [hbm4b:s1+s8], $0x80, v3, vm1, $0xb8;
	[tilespmem:$0x1BD00] =	vst v63  }
0x10c: {  	v3 =	vld @!p0 [tilespmem:s12+$0xA0];
	_ =	sdelay $0x4  }
0x10d: {  	v7 =	vshll.u32 @!p0 v3, $0x1  }
0x10e: {  	v3 =	vand.u32 @!p0 $0x7, v3;
	v7 =	vand.u32 @!p0 $0xFFFFFFF0, v7  }
0x10f: {  	v3 =	vor.u32 @!p0 v3, v7  }
0x110: {  	v7 =	vperm.xlane @!p0 v3, v4;
	_ =	sdelay $0x1  }
0x111: {  	v3 =	vperm.xlane @!p0 v3, v5;
	v7 =	vadd.s32 @!p0 v6, v7;
	_ =	sdelay $0x1  }
0x112: {  	v3 =	vadd.s32 @!p0 v6, v3;
	_ =	sdelay $0x1  }
0x113: {  	s7 =	simm.s32 @!p0 $0xAD00  }
0x114: {  	[tilespmem:s7], [sflag:$0x4] =	stream.indirect_vreg.gather @!p0 [hbm4b:s1+s8], $0x80, v7, vm1, $0xb8;
	[tilespmem:$0x1BD00] =	vst v63  }
0x115: {  	s7 =	simm.s32 @!p0 $0xB500  }
0x116: {  	[tilespmem:s7], [sflag:$0x4] =	stream.indirect_vreg.gather @!p0 [hbm4b:s1+s8], $0x80, v3, vm1, $0xb8;
	[tilespmem:$0x1BD00] =	vst v63  }
0x117: {  	v3 =	vld @!p0 [tilespmem:s12+$0xB0];
	_ =	sdelay $0x4  }
0x118: {  	v7 =	vshll.u32 @!p0 v3, $0x1  }
0x119: {  	v3 =	vand.u32 @!p0 $0x7, v3;
	v7 =	vand.u32 @!p0 $0xFFFFFFF0, v7  }
0x11a: {  	v3 =	vor.u32 @!p0 v3, v7  }
0x11b: {  	v4 =	vperm.xlane @!p0 v3, v4;
	_ =	sdelay $0x1  }
0x11c: {  	v3 =	vperm.xlane @!p0 v3, v5;
	v4 =	vadd.s32 @!p0 v6, v4;
	_ =	sdelay $0x1  }
0x11d: {  	v3 =	vadd.s32 @!p0 v6, v3;
	_ =	sdelay $0x1  }
0x11e: {  	p1 =	seq.s32 @!p0 s9, $0x0;
	s7 =	simm.s32 @!p0 $0xBD00  }
0x11f: {  	[tilespmem:s7], [sflag:$0x4] =	stream.indirect_vreg.gather @!p0 [hbm4b:s1+s8], $0x80, v4, vm1, $0xb8;
	[tilespmem:$0x1BD00] =	vst v63  }
0x120: {  	p1 =	por p0, !p1;
	s7 =	simm.s32 @!p0 $0xC500  }
0x121: {  	[tilespmem:s7], [sflag:$0x4] =	stream.indirect_vreg.gather @!p0 [hbm4b:s1+s8], $0x80, v3, vm1, $0xb8;
	[tilespmem:$0x1BD00] =	vst v63  }
0x122: {  	s8 =	simm.s32 $0x0;
	_ =	swait.ge @p1 [sflag:s6], $0x3000  }
0x123: {  	s13 =	sand.u32 $0x3800, s8;
	s7 =	sand.u32 $0x380, s8;
	[sflag:s6] =	ssyncset.done @p1 $0x0  }
0x124: {  	s7 =	sor.u32 s7, s13;
	[sflag:s6] =	ssyncadd.s32 @p1 $0xFFFFD000  }
0x125: {  	v3 =	vld [tilespmem:s7+$0x4170]  }
0x126: {  	v4 =	vld [tilespmem:s7+$0xD170]  }
0x127: {  	v5 =	vld [tilespmem:s7+$0x3D00]  }
0x128: {  	v6 =	vld [tilespmem:s7+$0xCD00]  }
0x129: {  	v7 =	vld [tilespmem:s7+$0x3D10]  }
0x12a: {  	v8 =	vld [tilespmem:s7+$0xCD10]  }
0x12b: {  	v9 =	vld [tilespmem:s7+$0x3D20];
	v3 =	vmul.f32 $6.999999880e-01, v3;
	v4 =	vmul.f32 $3.000000120e-01, v4  }
0x12c: {  	v10 =	vld [tilespmem:s7+$0xCD20]  }
0x12d: {  	v11 =	vld [tilespmem:s7+$0x3D30];
	v5 =	vmul.f32 $6.999999880e-01, v5;
	v6 =	vmul.f32 $3.000000120e-01, v6;
	v3 =	vadd.f32 v4, v3  }
0x12e: {  	v4 =	vld [tilespmem:s7+$0xCD30]  }
0x12f: {  	v62 =	vld [tilespmem:s7+$0x3D40];
	v5 =	vadd.f32 v6, v5;
	v6 =	vmul.f32 $3.000000120e-01, v8;
	[tilespmem:s7+$0x16170] =	vst v3;
	v3 =	vmul.f32 $6.999999880e-01, v7  }
0x130: {  	v7 =	vld [tilespmem:s7+$0xCD40]  }
0x131: {  	v8 =	vmul.f32 $3.000000120e-01, v10;
	[tilespmem:s7+$0x15D00] =	vst v5;
	v5 =	vld [tilespmem:s7+$0x3D50];
	v3 =	vadd.f32 v6, v3;
	v6 =	vmul.f32 $6.999999880e-01, v9  }
0x132: {  	v9 =	vld [tilespmem:s7+$0xCD50]  }
0x133: {  	v10 =	vld [tilespmem:s7+$0xCD60];
	v4 =	vmul.f32 $3.000000120e-01, v4;
	[tilespmem:s7+$0x15D10] =	vst v3;
	v3 =	vadd.f32 v8, v6;
	v8 =	vmul.f32 $6.999999880e-01, v11  }
0x134: {  	v6 =	vld [tilespmem:s7+$0x3D60]  }
0x135: {  	v11 =	vld [tilespmem:s7+$0xCD70];
	v7 =	vmul.f32 $3.000000120e-01, v7;
	[tilespmem:s7+$0x15D20] =	vst v3;
	v3 =	vadd.f32 v4, v8;
	v8 =	vmul.f32 $6.999999880e-01, v62  }
0x136: {  	v4 =	vld [tilespmem:s7+$0x3D70]  }
0x137: {  	v5 =	vmul.f32 $6.999999880e-01, v5;
	[tilespmem:s7+$0x15D30] =	vst v3;
	v3 =	vadd.f32 v7, v8;
	v7 =	vld [tilespmem:s7+$0x4100];
	v8 =	vmul.f32 $3.000000120e-01, v9  }
0x138: {  	v9 =	vld [tilespmem:s7+$0xD100]  }
0x139: {  	v6 =	vmul.f32 $6.999999880e-01, v6;
	[tilespmem:s7+$0x15D40] =	vst v3;
	v3 =	vadd.f32 v8, v5;
	v5 =	vld [tilespmem:s7+$0x4110];
	v8 =	vmul.f32 $3.000000120e-01, v10  }
0x13a: {  	v10 =	vld [tilespmem:s7+$0xD110]  }
0x13b: {  	v4 =	vmul.f32 $6.999999880e-01, v4;
	[tilespmem:s7+$0x15D50] =	vst v3;
	v3 =	vadd.f32 v8, v6;
	v6 =	vld [tilespmem:s7+$0x4120];
	v8 =	vmul.f32 $3.000000120e-01, v11  }
0x13c: {  	v11 =	vld [tilespmem:s7+$0xD120]  }
0x13d: {  	[tilespmem:s7+$0x15D60] =	vst v3;
	v3 =	vadd.f32 v8, v4;
	v8 =	vld [tilespmem:s7+$0x4130];
	v4 =	vmul.f32 $6.999999880e-01, v7;
	v7 =	vmul.f32 $3.000000120e-01, v9  }
0x13e: {  	v9 =	vld [tilespmem:s7+$0xD130]  }
0x13f: {  	v5 =	vmul.f32 $6.999999880e-01, v5;
	v10 =	vmul.f32 $3.000000120e-01, v10;
	[tilespmem:s7+$0x15D70] =	vst v3;
	v3 =	vadd.f32 v7, v4;
	v7 =	vld [tilespmem:s7+$0x4140]  }
0x140: {  	v4 =	vld [tilespmem:s7+$0xD140]  }
0x141: {  	s28 =	simm.s32 $0x80;
	s13 =	simm.s32 $0x100;
	v10 =	vadd.f32 v10, v5;
	v5 =	vld [tilespmem:s7+$0x4150];
	v63 =	vmul.f32 $6.999999880e-01, v6;
	v11 =	vmul.f32 $3.000000120e-01, v11  }
0x142: {  	s8 =	sand.u32 $0x3800, s13;
	s13 =	sand.u32 $0x380, s28;
	[tilespmem:s7+$0x16100] =	vst v3;
	v3 =	vld [tilespmem:s7+$0xD150]  }
0x143: {  	v6 =	vld [tilespmem:s7+$0x4160];
	[tilespmem:s7+$0x16110] =	vst v10;
	v10 =	vmul.f32 $3.000000120e-01, v9;
	v8 =	vmul.f32 $6.999999880e-01, v8;
	v11 =	vadd.f32 v11, v63  }
0x144: {  	s30 =	simm.s32 $0x200;
	s13 =	sor.u32 s13, s8;
	v9 =	vmul.f32 $6.999999880e-01, v7;
	v7 =	vld [tilespmem:s7+$0xD160]  }
.LBB2_5:
0x145: {  	p2 =	sne.s32 s30, $0x2F00;
	v12 =	vld [tilespmem:s13+$0x4170];
	[tilespmem:s7+$0x16120] =	vst v11;
	v8 =	vadd.f32 v10, v8;
	v4 =	vmul.f32 $3.000000120e-01, v4  }
0x146: {  	v10 =	vld [tilespmem:s13+$0xD170];
	v5 =	vmul.f32 $6.999999880e-01, v5  }
0x147: {  	v11 =	vld [tilespmem:s13+$0x3D00];
	[tilespmem:s7+$0x16130] =	vst v8;
	v4 =	vadd.f32 v4, v9;
	v3 =	vmul.f32 $3.000000120e-01, v3  }
0x148: {  	v8 =	vld [tilespmem:s13+$0xCD00];
	v6 =	vmul.f32 $6.999999880e-01, v6  }
0x149: {  	v9 =	vld [tilespmem:s13+$0x3D10];
	[tilespmem:s7+$0x16140] =	vst v4;
	v3 =	vadd.f32 v3, v5;
	v4 =	vmul.f32 $3.000000120e-01, v7  }
0x14a: {  	v5 =	vld [tilespmem:s13+$0xCD10]  }
0x14b: {  	v12 =	vmul.f32 $6.999999880e-01, v12;
	v7 =	vld [tilespmem:s13+$0x3D20];
	v10 =	vmul.f32 $3.000000120e-01, v10;
	[tilespmem:s7+$0x16150] =	vst v3;
	v3 =	vadd.f32 v4, v6  }
0x14c: {  	v4 =	vmul.f32 $6.999999880e-01, v11;
	v6 =	vld [tilespmem:s13+$0xCD20]  }
0x14d: {  	v8 =	vmul.f32 $3.000000120e-01, v8;
	v11 =	vld [tilespmem:s13+$0x3D30];
	v10 =	vadd.f32 v10, v12;
	[tilespmem:s7+$0x16160] =	vst v3;
	s7 =	smov.u32 s13  }
0x14e: {  	v3 =	vmul.f32 $6.999999880e-01, v9;
	v9 =	vld [tilespmem:s7+$0xCD30]  }
0x14f: {  	v4 =	vadd.f32 v8, v4;
	v5 =	vmul.f32 $3.000000120e-01, v5;
	v8 =	vld [tilespmem:s7+$0x3D40];
	[tilespmem:s7+$0x16170] =	vst v10  }
0x150: {  	v7 =	vmul.f32 $6.999999880e-01, v7;
	v10 =	vld [tilespmem:s7+$0xCD40]  }
0x151: {  	[tilespmem:s7+$0x15D00] =	vst v4;
	v3 =	vadd.f32 v5, v3;
	v4 =	vmul.f32 $3.000000120e-01, v6;
	v5 =	vld [tilespmem:s7+$0x3D50]  }
0x152: {  	v6 =	vmul.f32 $6.999999880e-01, v11;
	v11 =	vld [tilespmem:s7+$0xCD50]  }
0x153: {  	[tilespmem:s7+$0x15D10] =	vst v3;
	v3 =	vadd.f32 v4, v7;
	v4 =	vmul.f32 $3.000000120e-01, v9;
	v7 =	vld [tilespmem:s7+$0x3D60]  }
0x154: {  	v8 =	vmul.f32 $6.999999880e-01, v8;
	v9 =	vld [tilespmem:s7+$0xCD60]  }
0x155: {  	[tilespmem:s7+$0x15D20] =	vst v3;
	v3 =	vadd.f32 v4, v6;
	v4 =	vmul.f32 $3.000000120e-01, v10;
	v6 =	vld [tilespmem:s7+$0x3D70]  }
0x156: {  	v5 =	vmul.f32 $6.999999880e-01, v5;
	v10 =	vld [tilespmem:s7+$0xCD70]  }
0x157: {  	[tilespmem:s7+$0x15D30] =	vst v3;
	v3 =	vadd.f32 v4, v8;
	v4 =	vmul.f32 $3.000000120e-01, v11;
	v8 =	vld [tilespmem:s7+$0x4100]  }
0x158: {  	v7 =	vmul.f32 $6.999999880e-01, v7;
	v11 =	vld [tilespmem:s7+$0xD100]  }
0x159: {  	[tilespmem:s7+$0x15D40] =	vst v3;
	v3 =	vadd.f32 v4, v5;
	v4 =	vmul.f32 $3.000000120e-01, v9;
	v5 =	vld [tilespmem:s7+$0x4110]  }
0x15a: {  	v6 =	vmul.f32 $6.999999880e-01, v6;
	v9 =	vld [tilespmem:s7+$0xD110]  }
0x15b: {  	[tilespmem:s7+$0x15D50] =	vst v3;
	v3 =	vadd.f32 v4, v7;
	v4 =	vmul.f32 $3.000000120e-01, v10;
	v7 =	vld [tilespmem:s7+$0x4120]  }
0x15c: {  	v8 =	vmul.f32 $6.999999880e-01, v8;
	v10 =	vld [tilespmem:s7+$0xD120]  }
0x15d: {  	[tilespmem:s7+$0x15D60] =	vst v3;
	v3 =	vadd.f32 v4, v6;
	v4 =	vmul.f32 $3.000000120e-01, v11;
	v6 =	vld [tilespmem:s7+$0x4130]  }
0x15e: {  	v5 =	vmul.f32 $6.999999880e-01, v5;
	v12 =	vld [tilespmem:s7+$0xD130]  }
0x15f: {  	[tilespmem:s7+$0x15D70] =	vst v3;
	v3 =	vadd.f32 v4, v8;
	v8 =	vmul.f32 $3.000000120e-01, v9;
	v9 =	vld [tilespmem:s7+$0x4140]  }
.Ltmp1:
0x160: {  	v7 =	vmul.f32 $6.999999880e-01, v7;
	v4 =	vld [tilespmem:s7+$0xD140];
	(pc) =	sbr.rel @p2 .LBB2_5-.Ltmp1, $4  }
0x161: {  	[tilespmem:s7+$0x16100] =	vst v3;
	v11 =	vadd.f32 v8, v5;
	v10 =	vmul.f32 $3.000000120e-01, v10;
	v5 =	vld [tilespmem:s7+$0x4150]  }
0x162: {  	s28 =	sadd.s32 $0x80, s28;
	v8 =	vmul.f32 $6.999999880e-01, v6;
	v3 =	vld [tilespmem:s7+$0xD150]  }
0x163: {  	s8 =	sand.u32 $0x3800, s30;
	s13 =	sand.u32 $0x380, s28;
	[tilespmem:s7+$0x16110] =	vst v11;
	v11 =	vadd.f32 v10, v7;
	v10 =	vmul.f32 $3.000000120e-01, v12;
	v6 =	vld [tilespmem:s7+$0x4160]  }
0x164: {  	s30 =	sadd.s32 $0x100, s30;
	s13 =	sor.u32 s13, s8;
	v9 =	vmul.f32 $6.999999880e-01, v9;
	v7 =	vld [tilespmem:s7+$0xD160]  }
0x165: {  	v12 =	vld [tilespmem:s13+$0x4170];
	[tilespmem:s7+$0x16120] =	vst v11;
	v8 =	vadd.f32 v10, v8;
	v4 =	vmul.f32 $3.000000120e-01, v4  }
0x166: {  	v10 =	vld [tilespmem:s13+$0xD170]  }
0x167: {  	v11 =	vld [tilespmem:s13+$0x3D00];
	v5 =	vmul.f32 $6.999999880e-01, v5;
	[tilespmem:s7+$0x16130] =	vst v8;
	v4 =	vadd.f32 v4, v9;
	v3 =	vmul.f32 $3.000000120e-01, v3  }
0x168: {  	v8 =	vld [tilespmem:s13+$0xCD00]  }
0x169: {  	v9 =	vld [tilespmem:s13+$0x3D10];
	[tilespmem:s7+$0x16140] =	vst v4;
	v3 =	vadd.f32 v3, v5;
	v5 =	vmul.f32 $6.999999880e-01, v6;
	v6 =	vmul.f32 $3.000000120e-01, v7  }
0x16a: {  	v4 =	vld [tilespmem:s13+$0xCD10]  }
0x16b: {  	v7 =	vld [tilespmem:s13+$0x3D20];
	[tilespmem:s7+$0x16150] =	vst v3;
	v3 =	vadd.f32 v6, v5  }
0x16c: {  	v6 =	vmul.f32 $6.999999880e-01, v12;
	v10 =	vmul.f32 $3.000000120e-01, v10;
	v5 =	vld [tilespmem:s13+$0xCD20]  }
0x16d: {  	v60 =	vld [tilespmem:s13+$0x3D30];
	[tilespmem:s7+$0x16160] =	vst v3  }
0x16e: {  	v3 =	vmul.f32 $6.999999880e-01, v11;
	v8 =	vmul.f32 $3.000000120e-01, v8;
	v6 =	vadd.f32 v10, v6;
	v10 =	vld [tilespmem:s13+$0xCD30]  }
0x16f: {  	v11 =	vld [tilespmem:s13+$0x3D40]  }
0x170: {  	v61 =	vld [tilespmem:s13+$0xD160];
	v3 =	vadd.f32 v8, v3;
	[tilespmem:s13+$0x16170] =	vst v6;
	v6 =	vmul.f32 $6.999999880e-01, v9;
	v4 =	vmul.f32 $3.000000120e-01, v4  }
0x171: {  	v8 =	vld [tilespmem:s13+$0xCD40]  }
0x172: {  	[tilespmem:s13+$0x15D00] =	vst v3;
	v3 =	vadd.f32 v4, v6;
	v4 =	vld [tilespmem:s13+$0x3D50];
	v6 =	vmul.f32 $6.999999880e-01, v7;
	v5 =	vmul.f32 $3.000000120e-01, v5  }
0x173: {  	v7 =	vld [tilespmem:s13+$0xCD50]  }
0x174: {  	[tilespmem:s13+$0x15D10] =	vst v3;
	v3 =	vadd.f32 v5, v6;
	v5 =	vld [tilespmem:s13+$0x3D60];
	v6 =	vmul.f32 $6.999999880e-01, v60;
	v9 =	vmul.f32 $3.000000120e-01, v10  }
0x175: {  	v10 =	vld [tilespmem:s13+$0xCD60]  }
0x176: {  	v8 =	vmul.f32 $3.000000120e-01, v8;
	[tilespmem:s13+$0x15D20] =	vst v3;
	v3 =	vadd.f32 v9, v6;
	v6 =	vld [tilespmem:s13+$0x3D70];
	v9 =	vmul.f32 $6.999999880e-01, v11  }
0x177: {  	v11 =	vld [tilespmem:s13+$0xCD70]  }
0x178: {  	v4 =	vmul.f32 $6.999999880e-01, v4;
	v7 =	vmul.f32 $3.000000120e-01, v7;
	[tilespmem:s13+$0x15D30] =	vst v3;
	v3 =	vadd.f32 v8, v9;
	v8 =	vld [tilespmem:s13+$0x4100]  }
0x179: {  	v9 =	vld [tilespmem:s13+$0xD100]  }
0x17a: {  	v5 =	vmul.f32 $6.999999880e-01, v5;
	[tilespmem:s13+$0x15D40] =	vst v3;
	v3 =	vadd.f32 v7, v4;
	v4 =	vld [tilespmem:s13+$0x4110];
	v7 =	vmul.f32 $3.000000120e-01, v10  }
0x17b: {  	v10 =	vld [tilespmem:s13+$0xD110]  }
0x17c: {  	v6 =	vmul.f32 $6.999999880e-01, v6;
	[tilespmem:s13+$0x15D50] =	vst v3;
	v3 =	vadd.f32 v7, v5;
	v5 =	vld [tilespmem:s13+$0x4120];
	v7 =	vmul.f32 $3.000000120e-01, v11  }
0x17d: {  	v11 =	vld [tilespmem:s13+$0xD120]  }
0x17e: {  	[tilespmem:s13+$0x15D60] =	vst v3;
	v3 =	vadd.f32 v7, v6;
	v6 =	vld [tilespmem:s13+$0x4130];
	v7 =	vmul.f32 $6.999999880e-01, v8;
	v8 =	vmul.f32 $3.000000120e-01, v9  }
0x17f: {  	v9 =	vld [tilespmem:s13+$0xD130]  }
0x180: {  	v4 =	vmul.f32 $6.999999880e-01, v4;
	[tilespmem:s13+$0x15D70] =	vst v3;
	v3 =	vadd.f32 v8, v7;
	v7 =	vld [tilespmem:s13+$0x4140];
	v8 =	vmul.f32 $3.000000120e-01, v10  }
0x181: {  	v10 =	vld [tilespmem:s13+$0xD140]  }
0x182: {  	[tilespmem:s13+$0x16100] =	vst v3;
	v3 =	vadd.f32 v8, v4;
	v4 =	vld [tilespmem:s13+$0x4150]  }
0x183: {  	v8 =	vld [tilespmem:s13+$0xD150]  }
0x184: {  	[tilespmem:s13+$0x16110] =	vst v3;
	v3 =	vld [tilespmem:s13+$0x4160]  }
0x185: {  	v5 =	vmul.f32 $6.999999880e-01, v5;
	v11 =	vmul.f32 $3.000000120e-01, v11  }
0x186: {  	v6 =	vmul.f32 $6.999999880e-01, v6;
	v9 =	vmul.f32 $3.000000120e-01, v9  }
0x187: {  	v5 =	vadd.f32 v11, v5;
	v7 =	vmul.f32 $6.999999880e-01, v7;
	v10 =	vmul.f32 $3.000000120e-01, v10  }
0x188: {  	v6 =	vadd.f32 v9, v6;
	v4 =	vmul.f32 $6.999999880e-01, v4;
	v8 =	vmul.f32 $3.000000120e-01, v8  }
0x189: {  	[tilespmem:s13+$0x16120] =	vst v5;
	v5 =	vadd.f32 v10, v7;
	v7 =	vmul.f32 $3.000000120e-01, v61;
	v3 =	vmul.f32 $6.999999880e-01, v3  }
0x18a: {  	[tilespmem:s13+$0x16130] =	vst v6;
	v4 =	vadd.f32 v8, v4  }
0x18b: {  	s8 =	sadd.s32 s12, s11;
	[tilespmem:s13+$0x16140] =	vst v5;
	v3 =	vadd.f32 v7, v3  }
0x18c: {  	s7 =	sshll.u32 s8, $0x5;
	[tilespmem:s13+$0x16150] =	vst v4  }
0x18d: {  	s7 =	sadd.s32 s3, s7;
	[tilespmem:s13+$0x16160] =	vst v3  }
0x18e: {  	[hbm4b:s7+s4] =	stream.linear.scatter [tilespmem:s23], [sflag:$0x8], $0x3000, $0x38;
	[tilespmem:$0x1BD00] =	vst v63  }
0x18f: {  	_ =	swait.ge [sflag:s24], $0x3000  }
0x190: {  	[sflag:s24] =	ssyncset.done $0x0  }
0x191: {  	s7 =	sadd.s32 @!p0 $0xC0, s12;
	[sflag:s24] =	ssyncadd.s32 $0xFFFFD000  }
0x192: {  	s7 =	sadd.s32 @!p0 s5, s7;
	_ =	swait.ge [sflag:s25], $0x3000  }
0x193: {  	s8 =	simm.s32 @!p0 $0x0;
	s7 =	sshll.u32 @!p0 s7, $0x5;
	[sflag:s25] =	ssyncset.done $0x0  }
0x194: {  	s13 =	simm.s32 @!p0 $0x3D00;
	s7 =	sadd.s32 @!p0 s1, s7;
	[sflag:s25] =	ssyncadd.s32 $0xFFFFD000  }
0x195: {  	[tilespmem:s13], [sflag:$0x2] =	stream.linear.gather @!p0 [hbm4b:s7+s8], $0x3000, $0x38;
	[tilespmem:$0x1BD00] =	vst v63  }
0x196: {  	v3 =	vld @!p0 [tilespmem:s12+$0xC0];
	_ =	sdelay $0x4  }
0x197: {  	v4 =	vshll.u32 @!p0 v3, $0x1  }
0x198: {  	v5 =	vlaneseq.u32 @!p0;
	v3 =	vand.u32 @!p0 $0x7, v3;
	v4 =	vand.u32 @!p0 $0xFFFFFFF0, v4  }
0x199: {  	v6 =	vshrl.u32 @!p0 v5, $0x3;
	v3 =	vor.u32 @!p0 v3, v4;
	v4 =	vand.u32 @!p0 $0x7, v5  }
0x19a: {  	v6 =	vmul.u32 @!p0 $0x8, v6;
	v7 =	vperm.xlane @!p0 v3, v4  }
0x19b: {  	v5 =	vor.u32 @!p0 $0x8, v5  }
0x19c: {  	v3 =	vperm.xlane @!p0 v3, v5;
	v7 =	vadd.s32 @!p0 v6, v7;
	_ =	sdelay $0x1  }
0x19d: {  	v3 =	vadd.s32 @!p0 v6, v3;
	_ =	sdelay $0x1  }
0x19e: {  	s7 =	simm.s32 @!p0 $0xCD00  }
0x19f: {  	[tilespmem:s7], [sflag:$0x5] =	stream.indirect_vreg.gather @!p0 [hbm4b:s1+s8], $0x80, v7, vm1, $0xb8;
	[tilespmem:$0x1BD00] =	vst v63  }
0x1a0: {  	s7 =	simm.s32 @!p0 $0xD500  }
0x1a1: {  	[tilespmem:s7], [sflag:$0x5] =	stream.indirect_vreg.gather @!p0 [hbm4b:s1+s8], $0x80, v3, vm1, $0xb8;
	[tilespmem:$0x1BD00] =	vst v63  }
0x1a2: {  	v3 =	vld @!p0 [tilespmem:s12+$0xD0];
	_ =	sdelay $0x4  }
0x1a3: {  	v7 =	vshll.u32 @!p0 v3, $0x1  }
0x1a4: {  	v3 =	vand.u32 @!p0 $0x7, v3;
	v7 =	vand.u32 @!p0 $0xFFFFFFF0, v7  }
0x1a5: {  	v3 =	vor.u32 @!p0 v3, v7  }
0x1a6: {  	v7 =	vperm.xlane @!p0 v3, v4;
	_ =	sdelay $0x1  }
0x1a7: {  	v3 =	vperm.xlane @!p0 v3, v5;
	v7 =	vadd.s32 @!p0 v6, v7;
	_ =	sdelay $0x1  }
0x1a8: {  	v3 =	vadd.s32 @!p0 v6, v3;
	_ =	sdelay $0x1  }
0x1a9: {  	s7 =	simm.s32 @!p0 $0xDD00  }
0x1aa: {  	[tilespmem:s7], [sflag:$0x5] =	stream.indirect_vreg.gather @!p0 [hbm4b:s1+s8], $0x80, v7, vm1, $0xb8;
	[tilespmem:$0x1BD00] =	vst v63  }
0x1ab: {  	s7 =	simm.s32 @!p0 $0xE500  }
0x1ac: {  	[tilespmem:s7], [sflag:$0x5] =	stream.indirect_vreg.gather @!p0 [hbm4b:s1+s8], $0x80, v3, vm1, $0xb8;
	[tilespmem:$0x1BD00] =	vst v63  }
0x1ad: {  	v3 =	vld @!p0 [tilespmem:s12+$0xE0];
	_ =	sdelay $0x4  }
0x1ae: {  	v7 =	vshll.u32 @!p0 v3, $0x1  }
0x1af: {  	v3 =	vand.u32 @!p0 $0x7, v3;
	v7 =	vand.u32 @!p0 $0xFFFFFFF0, v7  }
0x1b0: {  	v3 =	vor.u32 @!p0 v3, v7  }
0x1b1: {  	v4 =	vperm.xlane @!p0 v3, v4;
	_ =	sdelay $0x1  }
0x1b2: {  	v3 =	vperm.xlane @!p0 v3, v5;
	v4 =	vadd.s32 @!p0 v6, v4;
	_ =	sdelay $0x1  }
0x1b3: {  	v3 =	vadd.s32 @!p0 v6, v3;
	_ =	sdelay $0x1  }
0x1b4: {  	s7 =	simm.s32 @!p0 $0xED00  }
0x1b5: {  	[tilespmem:s7], [sflag:$0x5] =	stream.indirect_vreg.gather @!p0 [hbm4b:s1+s8], $0x80, v4, vm1, $0xb8;
	[tilespmem:$0x1BD00] =	vst v63  }
0x1b6: {  	s7 =	simm.s32 @!p0 $0xF500  }
0x1b7: {  	[tilespmem:s7], [sflag:$0x5] =	stream.indirect_vreg.gather @!p0 [hbm4b:s1+s8], $0x80, v3, vm1, $0xb8;
	[tilespmem:$0x1BD00] =	vst v63  }
0x1b8: {  	s13 =	simm.s32 $0x0;
	_ =	swait.ge @p1 [sflag:s29], $0x3000  }
0x1b9: {  	s30 =	sand.u32 $0x3800, s13;
	s7 =	sand.u32 $0x380, s13;
	[sflag:s29] =	ssyncset.done @p1 $0x0  }
0x1ba: {  	s7 =	sor.u32 s7, s30;
	[sflag:s29] =	ssyncadd.s32 @p1 $0xFFFFD000  }
0x1bb: {  	v3 =	vld [tilespmem:s7+$0x7170]  }
0x1bc: {  	v4 =	vld [tilespmem:s7+$0x10170]  }
0x1bd: {  	v5 =	vld [tilespmem:s7+$0x6D00]  }
0x1be: {  	v6 =	vld [tilespmem:s7+$0xFD00]  }
0x1bf: {  	v7 =	vld [tilespmem:s7+$0x6D10]  }
0x1c0: {  	v8 =	vld [tilespmem:s7+$0xFD10]  }
0x1c1: {  	v9 =	vld [tilespmem:s7+$0x6D20];
	v3 =	vmul.f32 $6.999999880e-01, v3;
	v4 =	vmul.f32 $3.000000120e-01, v4  }
0x1c2: {  	v10 =	vld [tilespmem:s7+$0xFD20]  }
0x1c3: {  	v11 =	vld [tilespmem:s7+$0x6D30];
	v5 =	vmul.f32 $6.999999880e-01, v5;
	v6 =	vmul.f32 $3.000000120e-01, v6;
	v3 =	vadd.f32 v4, v3  }
0x1c4: {  	v4 =	vld [tilespmem:s7+$0xFD30]  }
0x1c5: {  	v62 =	vld [tilespmem:s7+$0x6D40];
	v5 =	vadd.f32 v6, v5;
	v6 =	vmul.f32 $3.000000120e-01, v8;
	[tilespmem:s7+$0x19170] =	vst v3;
	v3 =	vmul.f32 $6.999999880e-01, v7  }
0x1c6: {  	v7 =	vld [tilespmem:s7+$0xFD40]  }
0x1c7: {  	v8 =	vmul.f32 $3.000000120e-01, v10;
	[tilespmem:s7+$0x18D00] =	vst v5;
	v5 =	vld [tilespmem:s7+$0x6D50];
	v3 =	vadd.f32 v6, v3;
	v6 =	vmul.f32 $6.999999880e-01, v9  }
0x1c8: {  	v9 =	vld [tilespmem:s7+$0xFD50]  }
0x1c9: {  	v10 =	vld [tilespmem:s7+$0xFD60];
	v4 =	vmul.f32 $3.000000120e-01, v4;
	[tilespmem:s7+$0x18D10] =	vst v3;
	v3 =	vadd.f32 v8, v6;
	v8 =	vmul.f32 $6.999999880e-01, v11  }
0x1ca: {  	v6 =	vld [tilespmem:s7+$0x6D60]  }
0x1cb: {  	v11 =	vld [tilespmem:s7+$0xFD70];
	v7 =	vmul.f32 $3.000000120e-01, v7;
	[tilespmem:s7+$0x18D20] =	vst v3;
	v3 =	vadd.f32 v4, v8;
	v8 =	vmul.f32 $6.999999880e-01, v62  }
0x1cc: {  	v4 =	vld [tilespmem:s7+$0x6D70]  }
0x1cd: {  	v5 =	vmul.f32 $6.999999880e-01, v5;
	[tilespmem:s7+$0x18D30] =	vst v3;
	v3 =	vadd.f32 v7, v8;
	v7 =	vld [tilespmem:s7+$0x7100];
	v8 =	vmul.f32 $3.000000120e-01, v9  }
0x1ce: {  	v9 =	vld [tilespmem:s7+$0x10100]  }
0x1cf: {  	v6 =	vmul.f32 $6.999999880e-01, v6;
	[tilespmem:s7+$0x18D40] =	vst v3;
	v3 =	vadd.f32 v8, v5;
	v5 =	vld [tilespmem:s7+$0x7110];
	v8 =	vmul.f32 $3.000000120e-01, v10  }
0x1d0: {  	v10 =	vld [tilespmem:s7+$0x10110]  }
0x1d1: {  	v4 =	vmul.f32 $6.999999880e-01, v4;
	[tilespmem:s7+$0x18D50] =	vst v3;
	v3 =	vadd.f32 v8, v6;
	v6 =	vld [tilespmem:s7+$0x7120];
	v8 =	vmul.f32 $3.000000120e-01, v11  }
0x1d2: {  	v11 =	vld [tilespmem:s7+$0x10120]  }
0x1d3: {  	[tilespmem:s7+$0x18D60] =	vst v3;
	v3 =	vadd.f32 v8, v4;
	v8 =	vld [tilespmem:s7+$0x7130];
	v4 =	vmul.f32 $6.999999880e-01, v7;
	v7 =	vmul.f32 $3.000000120e-01, v9  }
0x1d4: {  	v9 =	vld [tilespmem:s7+$0x10130]  }
0x1d5: {  	v5 =	vmul.f32 $6.999999880e-01, v5;
	v10 =	vmul.f32 $3.000000120e-01, v10;
	[tilespmem:s7+$0x18D70] =	vst v3;
	v3 =	vadd.f32 v7, v4;
	v7 =	vld [tilespmem:s7+$0x7140]  }
0x1d6: {  	v4 =	vld [tilespmem:s7+$0x10140]  }
0x1d7: {  	s12 =	simm.s32 $0x100;
	s13 =	simm.s32 $0x80;
	v10 =	vadd.f32 v10, v5;
	v5 =	vld [tilespmem:s7+$0x7150];
	v63 =	vmul.f32 $6.999999880e-01, v6;
	v11 =	vmul.f32 $3.000000120e-01, v11  }
0x1d8: {  	s8 =	sand.u32 $0x3800, s12;
	s30 =	sand.u32 $0x380, s13;
	[tilespmem:s7+$0x19100] =	vst v3;
	v3 =	vld [tilespmem:s7+$0x10150]  }
0x1d9: {  	v6 =	vld [tilespmem:s7+$0x7160];
	[tilespmem:s7+$0x19110] =	vst v10;
	v10 =	vmul.f32 $3.000000120e-01, v9;
	v8 =	vmul.f32 $6.999999880e-01, v8;
	v11 =	vadd.f32 v11, v63  }
0x1da: {  	s28 =	simm.s32 $0x200;
	s12 =	sor.u32 s30, s8;
	v9 =	vmul.f32 $6.999999880e-01, v7;
	v7 =	vld [tilespmem:s7+$0x10160]  }
.LBB2_7:
0x1db: {  	p0 =	sne.s32 s28, $0x2F00;
	v12 =	vld [tilespmem:s12+$0x7170];
	[tilespmem:s7+$0x19120] =	vst v11;
	v8 =	vadd.f32 v10, v8;
	v4 =	vmul.f32 $3.000000120e-01, v4  }
0x1dc: {  	v10 =	vld [tilespmem:s12+$0x10170];
	v5 =	vmul.f32 $6.999999880e-01, v5  }
0x1dd: {  	v11 =	vld [tilespmem:s12+$0x6D00];
	[tilespmem:s7+$0x19130] =	vst v8;
	v4 =	vadd.f32 v4, v9;
	v3 =	vmul.f32 $3.000000120e-01, v3  }
0x1de: {  	v8 =	vld [tilespmem:s12+$0xFD00];
	v6 =	vmul.f32 $6.999999880e-01, v6  }
0x1df: {  	v9 =	vld [tilespmem:s12+$0x6D10];
	[tilespmem:s7+$0x19140] =	vst v4;
	v3 =	vadd.f32 v3, v5;
	v4 =	vmul.f32 $3.000000120e-01, v7  }
0x1e0: {  	v5 =	vld [tilespmem:s12+$0xFD10]  }
0x1e1: {  	v12 =	vmul.f32 $6.999999880e-01, v12;
	v7 =	vld [tilespmem:s12+$0x6D20];
	v10 =	vmul.f32 $3.000000120e-01, v10;
	[tilespmem:s7+$0x19150] =	vst v3;
	v3 =	vadd.f32 v4, v6  }
0x1e2: {  	v4 =	vmul.f32 $6.999999880e-01, v11;
	v6 =	vld [tilespmem:s12+$0xFD20]  }
0x1e3: {  	v8 =	vmul.f32 $3.000000120e-01, v8;
	v11 =	vld [tilespmem:s12+$0x6D30];
	v10 =	vadd.f32 v10, v12;
	[tilespmem:s7+$0x19160] =	vst v3;
	s7 =	smov.u32 s12  }
0x1e4: {  	v3 =	vmul.f32 $6.999999880e-01, v9;
	v9 =	vld [tilespmem:s7+$0xFD30]  }
0x1e5: {  	v4 =	vadd.f32 v8, v4;
	v5 =	vmul.f32 $3.000000120e-01, v5;
	v8 =	vld [tilespmem:s7+$0x6D40];
	[tilespmem:s7+$0x19170] =	vst v10  }
0x1e6: {  	v7 =	vmul.f32 $6.999999880e-01, v7;
	v10 =	vld [tilespmem:s7+$0xFD40]  }
0x1e7: {  	[tilespmem:s7+$0x18D00] =	vst v4;
	v3 =	vadd.f32 v5, v3;
	v4 =	vmul.f32 $3.000000120e-01, v6;
	v5 =	vld [tilespmem:s7+$0x6D50]  }
0x1e8: {  	v6 =	vmul.f32 $6.999999880e-01, v11;
	v11 =	vld [tilespmem:s7+$0xFD50]  }
0x1e9: {  	[tilespmem:s7+$0x18D10] =	vst v3;
	v3 =	vadd.f32 v4, v7;
	v4 =	vmul.f32 $3.000000120e-01, v9;
	v7 =	vld [tilespmem:s7+$0x6D60]  }
0x1ea: {  	v8 =	vmul.f32 $6.999999880e-01, v8;
	v9 =	vld [tilespmem:s7+$0xFD60]  }
0x1eb: {  	[tilespmem:s7+$0x18D20] =	vst v3;
	v3 =	vadd.f32 v4, v6;
	v4 =	vmul.f32 $3.000000120e-01, v10;
	v6 =	vld [tilespmem:s7+$0x6D70]  }
0x1ec: {  	v5 =	vmul.f32 $6.999999880e-01, v5;
	v10 =	vld [tilespmem:s7+$0xFD70]  }
0x1ed: {  	[tilespmem:s7+$0x18D30] =	vst v3;
	v3 =	vadd.f32 v4, v8;
	v4 =	vmul.f32 $3.000000120e-01, v11;
	v8 =	vld [tilespmem:s7+$0x7100]  }
0x1ee: {  	v7 =	vmul.f32 $6.999999880e-01, v7;
	v11 =	vld [tilespmem:s7+$0x10100]  }
0x1ef: {  	[tilespmem:s7+$0x18D40] =	vst v3;
	v3 =	vadd.f32 v4, v5;
	v4 =	vmul.f32 $3.000000120e-01, v9;
	v5 =	vld [tilespmem:s7+$0x7110]  }
0x1f0: {  	v6 =	vmul.f32 $6.999999880e-01, v6;
	v9 =	vld [tilespmem:s7+$0x10110]  }
0x1f1: {  	[tilespmem:s7+$0x18D50] =	vst v3;
	v3 =	vadd.f32 v4, v7;
	v4 =	vmul.f32 $3.000000120e-01, v10;
	v7 =	vld [tilespmem:s7+$0x7120]  }
0x1f2: {  	v8 =	vmul.f32 $6.999999880e-01, v8;
	v10 =	vld [tilespmem:s7+$0x10120]  }
0x1f3: {  	[tilespmem:s7+$0x18D60] =	vst v3;
	v3 =	vadd.f32 v4, v6;
	v4 =	vmul.f32 $3.000000120e-01, v11;
	v6 =	vld [tilespmem:s7+$0x7130]  }
0x1f4: {  	v5 =	vmul.f32 $6.999999880e-01, v5;
	v12 =	vld [tilespmem:s7+$0x10130]  }
0x1f5: {  	[tilespmem:s7+$0x18D70] =	vst v3;
	v3 =	vadd.f32 v4, v8;
	v8 =	vmul.f32 $3.000000120e-01, v9;
	v9 =	vld [tilespmem:s7+$0x7140]  }
.Ltmp2:
0x1f6: {  	v7 =	vmul.f32 $6.999999880e-01, v7;
	v4 =	vld [tilespmem:s7+$0x10140];
	(pc) =	sbr.rel @p0 .LBB2_7-.Ltmp2, $4  }
0x1f7: {  	[tilespmem:s7+$0x19100] =	vst v3;
	v11 =	vadd.f32 v8, v5;
	v10 =	vmul.f32 $3.000000120e-01, v10;
	v5 =	vld [tilespmem:s7+$0x7150]  }
0x1f8: {  	s13 =	sadd.s32 $0x80, s13;
	v8 =	vmul.f32 $6.999999880e-01, v6;
	v3 =	vld [tilespmem:s7+$0x10150]  }
0x1f9: {  	s8 =	sand.u32 $0x3800, s28;
	s12 =	sand.u32 $0x380, s13;
	[tilespmem:s7+$0x19110] =	vst v11;
	v11 =	vadd.f32 v10, v7;
	v10 =	vmul.f32 $3.000000120e-01, v12;
	v6 =	vld [tilespmem:s7+$0x7160]  }
0x1fa: {  	s28 =	sadd.s32 $0x100, s28;
	s12 =	sor.u32 s12, s8;
	v9 =	vmul.f32 $6.999999880e-01, v9;
	v7 =	vld [tilespmem:s7+$0x10160]  }
0x1fb: {  	v12 =	vld [tilespmem:s12+$0x7170];
	[tilespmem:s7+$0x19120] =	vst v11;
	v8 =	vadd.f32 v10, v8;
	v4 =	vmul.f32 $3.000000120e-01, v4  }
0x1fc: {  	v22 =	vld [tilespmem:s12+$0x10170]  }
0x1fd: {  	v11 =	vld [tilespmem:s12+$0x6D00];
	v5 =	vmul.f32 $6.999999880e-01, v5;
	[tilespmem:s7+$0x19130] =	vst v8;
	v4 =	vadd.f32 v4, v9;
	v3 =	vmul.f32 $3.000000120e-01, v3  }
0x1fe: {  	v8 =	vld [tilespmem:s12+$0xFD00]  }
0x1ff: {  	v23 =	vld [tilespmem:s12+$0x6D10];
	v24 =	vmul.f32 $6.999999880e-01, v6;
	[tilespmem:s7+$0x19140] =	vst v4;
	v3 =	vadd.f32 v3, v5;
	v25 =	vmul.f32 $3.000000120e-01, v7  }
0x200: {  	v4 =	vld [tilespmem:s12+$0xFD10]  }
0x201: {  	v26 =	vld [tilespmem:s12+$0x6D20];
	[tilespmem:s7+$0x19150] =	vst v3;
	v3 =	vadd.f32 v25, v24  }
0x202: {  	v27 =	vld [tilespmem:s12+$0xFD20]  }
0x203: {  	v29 =	vld [tilespmem:s12+$0x6D30];
	[tilespmem:s7+$0x19160] =	vst v3  }
0x204: {  	v3 =	vmul.f32 $6.999999880e-01, v11;
	v8 =	vmul.f32 $3.000000120e-01, v8;
	v30 =	vld [tilespmem:s12+$0xFD30]  }
0x205: {  	v31 =	vld [tilespmem:s12+$0x6D40]  }
0x206: {  	v32 =	vmul.f32 $6.999999880e-01, v23;
	v33 =	vld [tilespmem:s12+$0xFD40];
	v3 =	vadd.f32 v8, v3;
	v4 =	vmul.f32 $3.000000120e-01, v4  }
0x207: {  	v34 =	vld [tilespmem:s12+$0x6D50]  }
0x208: {  	v36 =	vld [tilespmem:s12+$0xFD50];
	v35 =	vmul.f32 $6.999999880e-01, v26;
	[tilespmem:s12+$0x18D00] =	vst v3;
	v3 =	vadd.f32 v4, v32;
	v5 =	vmul.f32 $3.000000120e-01, v27  }
0x209: {  	v37 =	vld [tilespmem:s12+$0x6D60]  }
0x20a: {  	v40 =	vld [tilespmem:s12+$0xFD60];
	v38 =	vmul.f32 $6.999999880e-01, v29;
	[tilespmem:s12+$0x18D10] =	vst v3;
	v3 =	vadd.f32 v5, v35;
	v39 =	vmul.f32 $3.000000120e-01, v30  }
0x20b: {  	v41 =	vld [tilespmem:s12+$0x6D70]  }
0x20c: {  	v43 =	vld [tilespmem:s12+$0xFD70];
	v42 =	vmul.f32 $6.999999880e-01, v31;
	v8 =	vmul.f32 $3.000000120e-01, v33;
	[tilespmem:s12+$0x18D20] =	vst v3;
	v3 =	vadd.f32 v39, v38  }
0x20d: {  	v28 =	vmul.f32 $6.999999880e-01, v12;
	v10 =	vmul.f32 $3.000000120e-01, v22;
	v44 =	vld [tilespmem:s12+$0x7100]  }
0x20e: {  	v45 =	vld [tilespmem:s12+$0x10100];
	v4 =	vmul.f32 $6.999999880e-01, v34;
	v7 =	vmul.f32 $3.000000120e-01, v36;
	[tilespmem:s12+$0x18D30] =	vst v3;
	v3 =	vadd.f32 v8, v42  }
0x20f: {  	v6 =	vadd.f32 v10, v28;
	v46 =	vld [tilespmem:s12+$0x7110]  }
0x210: {  	v48 =	vld [tilespmem:s12+$0x10110];
	v5 =	vmul.f32 $6.999999880e-01, v37;
	v47 =	vmul.f32 $3.000000120e-01, v40;
	[tilespmem:s12+$0x18D40] =	vst v3;
	v3 =	vadd.f32 v7, v4  }
0x211: {  	v49 =	vld [tilespmem:s12+$0x7120];
	[tilespmem:s12+$0x19170] =	vst v6  }
0x212: {  	v51 =	vld [tilespmem:s12+$0x10120];
	v6 =	vmul.f32 $6.999999880e-01, v41;
	v50 =	vmul.f32 $3.000000120e-01, v43;
	[tilespmem:s12+$0x18D50] =	vst v3;
	v3 =	vadd.f32 v47, v5  }
0x213: {  	v52 =	vld [tilespmem:s12+$0x7130]  }
0x214: {  	v55 =	vld [tilespmem:s12+$0x10130];
	v53 =	vmul.f32 $6.999999880e-01, v44;
	v54 =	vmul.f32 $3.000000120e-01, v45;
	[tilespmem:s12+$0x18D60] =	vst v3;
	v3 =	vadd.f32 v50, v6  }
0x215: {  	v56 =	vld [tilespmem:s12+$0x7140]  }
0x216: {  	v58 =	vld [tilespmem:s12+$0x10140];
	v57 =	vmul.f32 $3.000000120e-01, v48;
	v4 =	vmul.f32 $6.999999880e-01, v46;
	[tilespmem:s12+$0x18D70] =	vst v3;
	v3 =	vadd.f32 v54, v53  }
0x217: {  	v59 =	vld [tilespmem:s12+$0x7150]  }
0x218: {  	v60 =	vld [tilespmem:s12+$0x10150];
	[tilespmem:s12+$0x19100] =	vst v3;
	v3 =	vadd.f32 v57, v4  }
0x219: {  	v61 =	vld [tilespmem:s12+$0x10160]  }
0x21a: {  	[tilespmem:s12+$0x19110] =	vst v3;
	v3 =	vld [tilespmem:s12+$0x7160]  }
0x21b: {  	v10 =	vmul.f32 $3.000000120e-01, v58;
	v7 =	vmul.f32 $6.999999880e-01, v56  }
0x21c: {  	v11 =	vmul.f32 $3.000000120e-01, v51;
	v5 =	vmul.f32 $6.999999880e-01, v49  }
0x21d: {  	v9 =	vmul.f32 $3.000000120e-01, v55;
	v62 =	vadd.f32 v10, v7;
	v6 =	vmul.f32 $6.999999880e-01, v52  }
0x21e: {  	s9 =	sadd.s32 $0x1, s9;
	v8 =	vmul.f32 $3.000000120e-01, v60;
	v5 =	vadd.f32 v11, v5;
	v4 =	vmul.f32 $6.999999880e-01, v59  }
0x21f: {  	p0 =	sne.s32 s9, $0xB;
	v63 =	vmul.f32 $3.000000120e-01, v61;
	[tilespmem:s12+$0x19140] =	vst v62;
	v6 =	vadd.f32 v9, v6;
	v3 =	vmul.f32 $6.999999880e-01, v3  }
.Ltmp3:
0x220: {  	[tilespmem:s12+$0x19120] =	vst v5;
	v4 =	vadd.f32 v8, v4;
	(pc) =	sbr.rel @p0 .LBB2_2-.Ltmp3, $4  }
0x221: {  	[tilespmem:s12+$0x19130] =	vst v6;
	v3 =	vadd.f32 v63, v3  }
0x222: {  	[tilespmem:s12+$0x19150] =	vst v4  }
0x223: {  	s30 =	sadd.s32 s3, s10;
	[tilespmem:s12+$0x19160] =	vst v3  }
0x224: {  	[hbm4b:s30+s4] =	stream.linear.scatter [tilespmem:s26], [sflag:$0x9], $0x3000, $0x38;
	[tilespmem:$0x1BD00] =	vst v63  }
0x225: {  	s9 =	simm.s32 $0xA  }
0x226: {  	_ =	swait.ge [sflag:s9], $0x630  }
0x227: {  	[sflag:s9] =	ssyncset.done $0x0  }
0x228: {  	s7 =	simm.s32 $0x7;
	[sflag:s9] =	ssyncadd.s32 $0xFFFFF9D0  }
0x229: {  	_ =	swait.ge [sflag:s7], $0x3000  }
0x22a: {  	[sflag:s7] =	ssyncset.done $0x0  }
0x22b: {  	[sflag:s7] =	ssyncadd.s32 $0xFFFFD000  }
0x22c: {  	_ =	swait.ge [sflag:s6], $0x3000  }
0x22d: {  	[sflag:s6] =	ssyncset.done $0x0  }
0x22e: {  	[sflag:s6] =	ssyncadd.s32 $0xFFFFD000  }
0x22f: {  	_ =	swait.ge [sflag:s29], $0x3000  }
0x230: {  	s8 =	rddreg [dreg:$0xc]  }
0x231: {  	s30 =	rddreg [dreg:$0xb];
	s8 =	sadd.s32 $0x1, s8  }
0x232: {  	p0 =	sne.s32 s8, s30  }
.Ltmp4:
0x233: {  	_ = 	snop;
	(pc) =	sbr.rel @p0 .LBB2_1-.Ltmp4, $3  }
0x234: {  	_ =	sdelay $0x1  }
0x235: {  	[sflag:s29] =	ssyncset.done $0x0  }
0x236: {  	[sflag:s29] =	ssyncadd.s32 $0xFFFFD000  }
0x237: {  	_ =	sfence.sel $0x180000  }
0x238: {  	[bflag:$0x0] =	sbarrier.arrive $0xFFFF  }
0x239: {  	_ =	strace $0x90000047  }
0x23a: {  	s0 =	stileid.u32;
	[bflag:$0x2] =	sbarrier.arrive $0xFFFF  }
0x23b: {  	p0 =	sne.s32 s0, $0x0;
	s0 =	rddreg [dreg:$0x5]  }
0x23c: {  	s0 =	sadd.s32 @!p0 $0x100000, s0  }
0x23d: {  	[sflag:s0] =	ssyncadd.tile.s32 @!p0 $0x1;
	_ =	shalt  }
.Lfunc_end2:
_tile_overlayer_lowered:
.L_overlay_start_2:
0x23e: {  	(tag) =	ssettag $0x2  }
0x23f: {  	s0 =	rddreg [dreg:$0x0];
	s2 =	stileid.u32  }
0x240: {  	s1 =	rddreg [dreg:$0x1];
	p0 =	sne.s32 s2, $0x0  }
0x241: {  	s3 =	rddreg [dreg:$0x2];
	[bflag:$0x3] =	sbarrier.arrive $0xFFFF;
	s2 =	simm.s32 @!p0 $0x1C0B  }
0x242: {  	[timem:s3], [sflag:s2] =	dma.local @!p0 [hbm:s0], s1  }
0x243: {  	s0 =	simm.s32 @!p0 $0xB  }
0x244: {  	_ =	swait.ge @!p0 [sflag:s0], s1  }
0x245: {  	s1 =	ssub.s32 @!p0 $0x0, s1;
	[sflag:s0] =	ssyncset.done @!p0 $0x0  }
0x246: {  	[sflag:s0] =	ssyncadd.s32 @!p0 s1  }
0x247: {  	[bflag:$0x3] =	sbarrier.arrive $0xFFFF  }
0x248: {  	_ =	shalt  }

</sc_bundles>
